<compile_context>
chip_gen: v7x
topology: tpu7x:2x2x1
jax: 0.10.2.dev20260603
libtpu: 0.0.44.dev20260713+nightly
codegen_flags: <defaults>
</compile_context>

<pallas_src>
import functools

import jax
import jax.numpy as jnp
from jax import lax
from jax.experimental import pallas as pl
from jax.experimental.pallas import tpu as pltpu
from jax.experimental.pallas import tpu_sc as plsc

B = 1024
L = 20
H = 512
QD = 512
VD = 2048

BB = 256
NB = B // BB
KEYS = 32

NC = 2
NS = 16
NW = NC * NS
ROWS_W = (B * L) // NW
CK = 128
NCHUNK = ROWS_W // CK

BF = jnp.bfloat16


def _prep_proj_kernel(v_ref, q_ref, cl_ref, g_ref, Wav_ref, Waq_ref,
                      bav_ref, baq_ref, bah_ref, Vfc_ref,
                      avq_ref, wfc_ref, idx_ref, nb_ref):
    f32 = jnp.float32
    b = pl.program_id(0)
    avq_ref[...] = (
        jnp.dot(v_ref[...].astype(BF), Wav_ref[...], preferred_element_type=f32)
        + jnp.dot(q_ref[...].astype(BF), Waq_ref[...], preferred_element_type=f32)
        + bav_ref[...] + baq_ref[...] + bah_ref[...])

    @pl.when(b == 0)
    def _():
        Vfc = Vfc_ref[...]
        ssq = jnp.sum(Vfc * Vfc)
        wfc_ref[...] = (Vfc * (lax.rsqrt(ssq) * g_ref[...])).astype(BF)

        cl = cl_ref[...]
        keys = lax.broadcasted_iota(jnp.int32, (B, KEYS), 1)
        onehot = (cl == keys).astype(f32)
        r_i = lax.broadcasted_iota(jnp.int32, (B, B), 0)
        c_j = lax.broadcasted_iota(jnp.int32, (B, B), 1)
        tri = (c_j <= r_i).astype(f32)
        cum = jnp.dot(tri, onehot, preferred_element_type=f32)
        counts = cum[B - 1:B, :]
        k_r = lax.broadcasted_iota(jnp.int32, (KEYS, KEYS), 0)
        k_c = lax.broadcasted_iota(jnp.int32, (KEYS, KEYS), 1)
        gt = (k_r > k_c).astype(f32)
        offs = jnp.dot(counts, gt, preferred_element_type=f32)
        pos = jnp.sum(onehot * (offs + cum), axis=1, keepdims=True) - 1.0
        nb_ref[...] = offs.astype(jnp.int32)
        c = lax.broadcasted_iota(jnp.int32, (B, L * 4), 1)
        p = pos.astype(jnp.int32)
        idx_ref[...] = ((c >> 2) * (NB * 4 * BB) + (p // BB) * (4 * BB)
                        + (c & 3) * BB + (p % BB))


def _prep_proj(v, q, cl2, g11, Wav_t, Waq_t, bav, baq, bah, Vfc_t):
    f32 = jnp.float32
    return pl.pallas_call(
        _prep_proj_kernel,
        grid=(NB,),
        in_specs=[
            pl.BlockSpec((BB, VD), lambda b: (b, 0)),
            pl.BlockSpec((BB, QD), lambda b: (b, 0)),
            pl.BlockSpec((B, 1), lambda b: (0, 0)),
            pl.BlockSpec((1, 1), lambda b: (0, 0)),
            pl.BlockSpec((VD, H), lambda b: (0, 0)),
            pl.BlockSpec((QD, H), lambda b: (0, 0)),
            pl.BlockSpec((1, H), lambda b: (0, 0)),
            pl.BlockSpec((1, H), lambda b: (0, 0)),
            pl.BlockSpec((1, H), lambda b: (0, 0)),
            pl.BlockSpec((H, H), lambda b: (0, 0)),
        ],
        out_specs=[
            pl.BlockSpec((BB, H), lambda b: (b, 0)),
            pl.BlockSpec((H, H), lambda b: (0, 0)),
            pl.BlockSpec((B, L * 4), lambda b: (0, 0)),
            pl.BlockSpec((1, KEYS), lambda b: (0, 0)),
        ],
        out_shape=[
            jax.ShapeDtypeStruct((B, H), f32),
            jax.ShapeDtypeStruct((H, H), BF),
            jax.ShapeDtypeStruct((B, L * 4), jnp.int32),
            jax.ShapeDtypeStruct((1, KEYS), jnp.int32),
        ],
    )(v, q, cl2, g11, Wav_t, Waq_t, bav, baq, bah, Vfc_t)


def _sc_permute(cap_lin, idx_flat):
    mesh = plsc.VectorSubcoreMesh(core_axis_name="c", subcore_axis_name="s")
    rows_w = (B * L * 4) // NW
    ck = 512
    nchunk = rows_w // ck

    @functools.partial(
        pl.kernel,
        out_type=jax.ShapeDtypeStruct((4 * L * B, 128), jnp.float32),
        mesh=mesh,
        scratch_types=[
            pltpu.VMEM((128,), jnp.int32),
            pltpu.VMEM((128,), jnp.int32),
            pltpu.VMEM((128,), jnp.int32),
            pltpu.VMEM((128,), jnp.int32),
            pltpu.VMEM((128, 128), jnp.float32),
            pltpu.VMEM((128, 128), jnp.float32),
            pltpu.VMEM((128, 128), jnp.float32),
            pltpu.VMEM((128, 128), jnp.float32),
            pltpu.SemaphoreType.DMA,
        ],
    )
    def k(cap_hbm, idx_hbm, out_hbm, i0, i1, i2, i3, b0, b1, b2, b3, sem):
        wid = lax.axis_index("s") * NC + lax.axis_index("c")
        base = wid * rows_w
        idxs = (i0, i1, i2, i3)
        bufs = (b0, b1, b2, b3)

        def body(c, carry):
            off = base + c * ck
            for kk in range(ck // 128):
                pltpu.make_async_copy(idx_hbm.at[pl.ds(off + kk * 128, 128)],
                                      idxs[kk], sem).start()
                pltpu.make_async_copy(cap_hbm.at[pl.ds(off + kk * 128, 128)],
                                      bufs[kk], sem).start()
            for kk in range(ck // 128):
                pltpu.make_async_copy(idx_hbm.at[pl.ds(off + kk * 128, 128)],
                                      idxs[kk], sem).wait()
                pltpu.make_async_copy(cap_hbm.at[pl.ds(off + kk * 128, 128)],
                                      bufs[kk], sem).wait()
            for kk in range(ck // 128):
                pltpu.make_async_copy(bufs[kk], out_hbm.at[idxs[kk]],
                                      sem).start()
            for kk in range(ck // 128):
                pltpu.make_async_copy(bufs[kk], out_hbm.at[idxs[kk]],
                                      sem).wait()
            return carry

        lax.fori_loop(0, nchunk, body, 0)

    return k(cap_lin, idx_flat)


def _rnn_kernel(nb_ref, cap_ref, avq_ref,
                Wihw_ref, Whhw_ref, Wihc_ref, Whhc_ref, Wah_ref, Wfc_ref,
                bihw_ref, bhhw_ref, bihc_ref, bhhc_ref, bfc_ref,
                out_ref, alp_ref, h1_ref, h2_ref,
                so_ref, sa_ref, sem_ref):
    f32 = jnp.float32
    b = pl.program_id(0)
    t = pl.program_id(1)
    base = b * BB
    nb_t = nb_ref[t]
    step = b * L + t
    slot = lax.rem(step, 2)

    @pl.when(step >= 2)
    def _():
        pltpu.make_async_copy(
            so_ref.at[slot], out_ref.at[pl.ds(base, BB), t], sem_ref.at[slot]
        ).wait()
        pltpu.make_async_copy(
            sa_ref.at[slot], alp_ref.at[pl.ds(base, BB), t], sem_ref.at[slot]
        ).wait()

    @pl.when(t == 0)
    def _():
        h1_ref[pl.ds(base, BB), :] = jnp.zeros((BB, H), f32)
        h2_ref[pl.ds(base, BB), :] = jnp.zeros((BB, H), f32)

    @pl.when(base < nb_t)
    def _():
        x4 = cap_ref[...]
        x = jnp.concatenate(
            [x4[hj * BB:(hj + 1) * BB] for hj in range(4)], axis=1)
        xb = x.astype(BF)
        h1 = h1_ref[pl.ds(base, BB), :]
        h2 = h2_ref[pl.ds(base, BB), :]
        gi = jnp.dot(xb, Wihw_ref[...],
                     preferred_element_type=f32) + bihw_ref[...]
        gh = jnp.dot(h1.astype(BF), Whhw_ref[...],
                     preferred_element_type=f32) + bhhw_ref[...]
        r = jax.nn.sigmoid(gi[:, :H] + gh[:, :H])
        z = jax.nn.sigmoid(gi[:, H:2 * H] + gh[:, H:2 * H])
        n = jnp.tanh(gi[:, 2 * H:] + r * gh[:, 2 * H:])
        h1n = (1.0 - z) * n + z * h1
        h1_ref[pl.ds(base, BB), :] = h1n

        att = jax.nn.sigmoid(
            jnp.dot(h1n.astype(BF), Wah_ref[...], preferred_element_type=f32)
            + avq_ref[...])

        xa = (att * x).astype(BF)
        gi2 = jnp.dot(xa, Wihc_ref[...], preferred_element_type=f32) + bihc_ref[...]
        gh2 = jnp.dot(h2.astype(BF), Whhc_ref[...],
                      preferred_element_type=f32) + bhhc_ref[...]
        r2 = jax.nn.sigmoid(gi2[:, :H] + gh2[:, :H])
        z2 = jax.nn.sigmoid(gi2[:, H:2 * H] + gh2[:, H:2 * H])
        n2 = jnp.tanh(gi2[:, 2 * H:] + r2 * gh2[:, 2 * H:])
        h2g = (1.0 - z2) * n2 + z2 * h2
        h2n = jnp.dot(h2g.astype(BF), Wfc_ref[...],
                      preferred_element_type=f32) + bfc_ref[...]
        h2_ref[pl.ds(base, BB), :] = h2n

        rows = base + lax.broadcasted_iota(jnp.int32, (BB, H), 0)
        m = rows < nb_t
        so_ref[slot] = jnp.where(m, h2n, 0.0)
        sa_ref[slot] = jnp.where(m, att, 0.0)

    @pl.when(base >= nb_t)
    def _():
        so_ref[slot] = jnp.zeros((BB, H), f32)
        sa_ref[slot] = jnp.zeros((BB, H), f32)

    pltpu.make_async_copy(
        so_ref.at[slot], out_ref.at[pl.ds(base, BB), t], sem_ref.at[slot]
    ).start()
    pltpu.make_async_copy(
        sa_ref.at[slot], alp_ref.at[pl.ds(base, BB), t], sem_ref.at[slot]
    ).start()

    @pl.when(step == NB * L - 1)
    def _():
        for s in (slot, 1 - slot):
            pltpu.make_async_copy(
                so_ref.at[s], out_ref.at[pl.ds(base, BB), t], sem_ref.at[s]
            ).wait()
            pltpu.make_async_copy(
                sa_ref.at[s], alp_ref.at[pl.ds(base, BB), t], sem_ref.at[s]
            ).wait()


def _rnn(nb, cap4, avq, Wihw_t, Whhw_t, Wihc_t, Whhc_t, Wah_t, Wfc_t,
         bihw, bhhw, bihc, bhhc, bfc):
    f32 = jnp.float32
    grid_spec = pltpu.PrefetchScalarGridSpec(
        num_scalar_prefetch=1,
        grid=(NB, L),
        in_specs=[
            pl.BlockSpec((4 * BB, 128), lambda b, t, nb: (t * NB + b, 0)),
            pl.BlockSpec((BB, H), lambda b, t, nb: (b, 0)),
            pl.BlockSpec((QD, 3 * H), lambda b, t, nb: (0, 0)),
            pl.BlockSpec((H, 3 * H), lambda b, t, nb: (0, 0)),
            pl.BlockSpec((H, 3 * H), lambda b, t, nb: (0, 0)),
            pl.BlockSpec((H, 3 * H), lambda b, t, nb: (0, 0)),
            pl.BlockSpec((H, H), lambda b, t, nb: (0, 0)),
            pl.BlockSpec((H, H), lambda b, t, nb: (0, 0)),
            pl.BlockSpec((1, 3 * H), lambda b, t, nb: (0, 0)),
            pl.BlockSpec((1, 3 * H), lambda b, t, nb: (0, 0)),
            pl.BlockSpec((1, 3 * H), lambda b, t, nb: (0, 0)),
            pl.BlockSpec((1, 3 * H), lambda b, t, nb: (0, 0)),
            pl.BlockSpec((1, H), lambda b, t, nb: (0, 0)),
        ],
        out_specs=[
            pl.BlockSpec(memory_space=pl.ANY),
            pl.BlockSpec(memory_space=pl.ANY),
        ],
        scratch_shapes=[
            pltpu.VMEM((B, H), f32),
            pltpu.VMEM((B, H), f32),
            pltpu.VMEM((2, BB, H), f32),
            pltpu.VMEM((2, BB, H), f32),
            pltpu.SemaphoreType.DMA((2,)),
        ],
    )
    return pl.pallas_call(
        _rnn_kernel,
        grid_spec=grid_spec,
        out_shape=[
            jax.ShapeDtypeStruct((B, L, H), f32),
            jax.ShapeDtypeStruct((B, L, H), f32),
        ],
        compiler_params=pltpu.CompilerParams(
            dimension_semantics=("arbitrary", "arbitrary")),
    )(nb, cap4, avq, Wihw_t, Whhw_t, Wihc_t, Whhc_t,
      Wah_t, Wfc_t, bihw, bhhw, bihc, bhhc, bfc)


def kernel(v, q, caption, cap_len, W_ih_w, W_hh_w, b_ih_w, b_hh_w,
           W_ih_c, W_hh_c, b_ih_c, b_hh_c, W_ah, b_ah, W_av, b_av,
           W_aq, b_aq, V_fc, g_fc, b_fc):
    f32 = jnp.float32
    cl2 = cap_len.reshape(B, 1)
    g11 = jnp.asarray(g_fc, f32).reshape(1, 1)

    avq, wfc_t, idx2d, nb32 = _prep_proj(
        v, q, cl2, g11, W_av.T.astype(BF), W_aq.T.astype(BF),
        b_av.reshape(1, H), b_aq.reshape(1, H), b_ah.reshape(1, H), V_fc.T)
    nb = nb32[0, :L]

    cap4 = _sc_permute(caption.reshape(B * L * 4, 128),
                       idx2d.reshape(B * L * 4))

    out, alp = _rnn(
        nb, cap4, avq,
        W_ih_w.T.astype(BF), W_hh_w.T.astype(BF),
        W_ih_c.T.astype(BF), W_hh_c.T.astype(BF),
        W_ah.T.astype(BF), wfc_t,
        b_ih_w.reshape(1, 3 * H), b_hh_w.reshape(1, 3 * H),
        b_ih_c.reshape(1, 3 * H), b_hh_c.reshape(1, 3 * H),
        b_fc.reshape(1, H))
    return (out, alp)

# --- scband reference (transcript-rebuilt; emitter-appended) ---
"""Pipeline reference for scband-caption-embedding-46986942218474 (READ-ONLY COPY).

The authoritative reference and input builder live on the scoring server;
editing this copy changes nothing except your own understanding.
"""

import jax, jax.numpy as jnp
import numpy as np

B = 1024
L = 20
H = 512
Q_DIM = 512
V_DIM = 2048


def gru_cell(x, h, W_ih, W_hh, b_ih, b_hh):
    gi = x @ W_ih.T + b_ih
    gh = h @ W_hh.T + b_hh
    i_r, i_z, i_n = jnp.split(gi, 3, axis=-1)
    h_r, h_z, h_n = jnp.split(gh, 3, axis=-1)
    r = jax.nn.sigmoid(i_r + h_r)
    z = jax.nn.sigmoid(i_z + h_z)
    n = jnp.tanh(i_n + r * h_n)
    return (1.0 - z) * n + z * h


def setup_inputs(seed: int = 0):
    key = jax.random.key(seed)
    ks = jax.random.split(key, 16)
    s = 0.02
    inp = {}
    inp['v'] = jax.random.normal(ks[0], (B, V_DIM), dtype=jnp.float32)
    inp['q'] = jax.random.normal(ks[1], (B, Q_DIM), dtype=jnp.float32)
    inp['caption'] = jax.random.normal(ks[2], (B, L, Q_DIM), dtype=jnp.float32)
    inp['cap_len'] = jax.random.randint(ks[3], (B,), 1, L + 1, dtype=jnp.int32)
    # word_rnn (GRUCell: input q_dim -> hidden H)
    inp['W_ih_w'] = jax.random.normal(ks[4], (3 * H, Q_DIM), dtype=jnp.float32) * s
    inp['W_hh_w'] = jax.random.normal(ks[5], (3 * H, H), dtype=jnp.float32) * s
    inp['b_ih_w'] = jnp.zeros((3 * H,), dtype=jnp.float32)
    inp['b_hh_w'] = jnp.zeros((3 * H,), dtype=jnp.float32)
    # caption_rnn (GRUCell: input H -> hidden H)
    inp['W_ih_c'] = jax.random.normal(ks[6], (3 * H, H), dtype=jnp.float32) * s
    inp['W_hh_c'] = jax.random.normal(ks[7], (3 * H, H), dtype=jnp.float32) * s
    inp['b_ih_c'] = jnp.zeros((3 * H,), dtype=jnp.float32)
    inp['b_hh_c'] = jnp.zeros((3 * H,), dtype=jnp.float32)
    # CaptionAttention: additive projections of h1, v, q -> sigmoid gate over hidden_dim
    inp['W_ah'] = jax.random.normal(ks[8], (H, H), dtype=jnp.float32) * s
    inp['b_ah'] = jnp.zeros((H,), dtype=jnp.float32)
    inp['W_av'] = jax.random.normal(ks[9], (H, V_DIM), dtype=jnp.float32) * s
    inp['b_av'] = jnp.zeros((H,), dtype=jnp.float32)
    inp['W_aq'] = jax.random.normal(ks[10], (H, Q_DIM), dtype=jnp.float32) * s
    inp['b_aq'] = jnp.zeros((H,), dtype=jnp.float32)
    # FCNet: single weight-normed (dim=None) linear H -> H
    inp['V_fc'] = jax.random.normal(ks[11], (H, H), dtype=jnp.float32) * s
    inp['g_fc'] = jnp.linalg.norm(inp['V_fc'])
    inp['b_fc'] = jnp.zeros((H,), dtype=jnp.float32)
    return inp


def reference(v, q, caption, cap_len, W_ih_w, W_hh_w, b_ih_w, b_hh_w,
              W_ih_c, W_hh_c, b_ih_c, b_hh_c, W_ah, b_ah, W_av, b_av,
              W_aq, b_aq, V_fc, g_fc, b_fc):
    # sort captions by descending length (torch: cap_len.sort(descending=True))
    order = jnp.argsort(-cap_len)
    cl = cap_len[order]
    cap = caption[order]
    dt = caption.dtype
    h1 = jnp.zeros((B, H), dtype=dt)
    h2 = jnp.zeros((B, H), dtype=dt)
    # hoisted attention projections of v and q (loop-invariant, same math)
    av = v @ W_av.T + b_av
    aq = q @ W_aq.T + b_aq
    # weight_norm with dim=None: W = g * V / ||V||_F
    W_fc = g_fc * V_fc / jnp.linalg.norm(V_fc)
    outs = []
    atts = []
    for t in range(L):
        m = (cl > t).astype(dt)[:, None]
        x_t = cap[:, t, :]
        h1n = gru_cell(x_t, h1, W_ih_w, W_hh_w, b_ih_w, b_hh_w)
        h1 = m * h1n + (1.0 - m) * h1
        att = jax.nn.sigmoid(h1 @ W_ah.T + b_ah + av + aq)
        h2n = gru_cell(att * x_t, h2, W_ih_c, W_hh_c, b_ih_c, b_hh_c)
        h2n = h2n @ W_fc.T + b_fc
        h2 = m * h2n + (1.0 - m) * h2
        outs.append(m * h2n)
        atts.append(m * att)
    output = jnp.stack(outs, axis=1)
    alphas = jnp.stack(atts, axis=1)
    return (output, alphas)

if __name__ == "__main__":
    import jax
    _d = setup_inputs()
    print(jax.jit(kernel)(*tuple(_d.values())))

</pallas_src>

<mosaic_0001>
#map = affine_map<(d0, d1) -> (0, 0)>
#map1 = affine_map<(d0, d1) -> (0)>
module attributes {stable_mosaic.version = 14 : i64} {
  func.func @k(%arg0: i32, %arg1: i32, %arg2: memref<81920x128xf32, #tpu.memory_space<hbm>>, %arg3: memref<81920xi32, #tpu.memory_space<hbm>>, %arg4: memref<81920x128xf32, #tpu.memory_space<hbm>>, %arg5: memref<128xi32, #tpu.memory_space<vmem>>, %arg6: memref<128xi32, #tpu.memory_space<vmem>>, %arg7: memref<128xi32, #tpu.memory_space<vmem>>, %arg8: memref<128xi32, #tpu.memory_space<vmem>>, %arg9: memref<128x128xf32, #tpu.memory_space<vmem>>, %arg10: memref<128x128xf32, #tpu.memory_space<vmem>>, %arg11: memref<128x128xf32, #tpu.memory_space<vmem>>, %arg12: memref<128x128xf32, #tpu.memory_space<vmem>>, %arg13: memref<!tpu.dma_semaphore, #tpu.memory_space<semaphore_mem>>) attributes {dimension_semantics = [#tpu.dimension_semantics<core_parallel>, #tpu.dimension_semantics<subcore_parallel>], iteration_bounds = array<i64: 2, 16>, scalar_prefetch = 0 : i64, scratch_operands = 9 : i64, tpu.core_type = #tpu.core_type<sc_vector_subcore>, window_params = [{transform_indices = #map}, {transform_indices = #map1}, {transform_indices = #map}]} {
    %mul3A = arith.constant 2 : i32
    %mul3A_0 = arith.muli %arg1, %mul3A : i32
    %add3A = arith.addi %mul3A_0, %arg0 : i32
    %mul3A_1 = arith.constant 2560 : i32
    %mul3A_2 = arith.muli %add3A, %mul3A_1 : i32
    %scan3A = arith.constant 0 : i32
    %scan3A_3 = arith.constant 0 : i32
    %scan3A_4 = arith.constant 5 : i32
    %scan3A_5 = arith.addi %scan3A_3, %scan3A_4 : i32
    %scan3A_6 = arith.constant 1 : i32
    scf.for %scan3A_8 = %scan3A_3 to %scan3A_5 step %scan3A_6  : i32 {
      %mul3A_9 = arith.constant 512 : i32
      %mul3A_10 = arith.muli %scan3A_8, %mul3A_9 : i32
      %add3A_11 = arith.addi %mul3A_2, %mul3A_10 : i32
      %add3A_12 = arith.constant 0 : i32
      %add3A_13 = arith.addi %add3A_11, %add3A_12 : i32
      %dma_start3A = tpu.memref_slice %arg3[%add3A_13] : memref<81920xi32, #tpu.memory_space<hbm>> -> memref<128xi32, #tpu.memory_space<hbm>>
      %dma_start3A_14 = tpu.memref_slice %arg3[%add3A_13] : memref<81920xi32, #tpu.memory_space<hbm>> -> memref<128xi32, #tpu.memory_space<hbm>>
      tpu.enqueue_dma source(%dma_start3A_14 : memref<128xi32, #tpu.memory_space<hbm>>) target(%arg5 : memref<128xi32, #tpu.memory_space<vmem>>) target_semaphore(%arg13 : memref<!tpu.dma_semaphore, #tpu.memory_space<semaphore_mem>>)
      %add3A_15 = arith.constant 0 : i32
      %add3A_16 = arith.addi %add3A_11, %add3A_15 : i32
      %dma_start3A_17 = arith.constant 0 : i32
      %dma_start3A_18 = tpu.memref_slice %arg2[%add3A_16, %dma_start3A_17] : memref<81920x128xf32, #tpu.memory_space<hbm>> -> memref<128x128xf32, #tpu.memory_space<hbm>>
      %dma_start3A_19 = arith.constant 0 : i32
      %dma_start3A_20 = tpu.memref_slice %arg2[%add3A_16, %dma_start3A_19] : memref<81920x128xf32, #tpu.memory_space<hbm>> -> memref<128x128xf32, #tpu.memory_space<hbm>>
      tpu.enqueue_dma source(%dma_start3A_20 : memref<128x128xf32, #tpu.memory_space<hbm>>) target(%arg9 : memref<128x128xf32, #tpu.memory_space<vmem>>) target_semaphore(%arg13 : memref<!tpu.dma_semaphore, #tpu.memory_space<semaphore_mem>>)
      %add3A_21 = arith.constant 128 : i32
      %add3A_22 = arith.addi %add3A_11, %add3A_21 : i32
      %dma_start3A_23 = tpu.memref_slice %arg3[%add3A_22] : memref<81920xi32, #tpu.memory_space<hbm>> -> memref<128xi32, #tpu.memory_space<hbm>>
      %dma_start3A_24 = tpu.memref_slice %arg3[%add3A_22] : memref<81920xi32, #tpu.memory_space<hbm>> -> memref<128xi32, #tpu.memory_space<hbm>>
      tpu.enqueue_dma source(%dma_start3A_24 : memref<128xi32, #tpu.memory_space<hbm>>) target(%arg6 : memref<128xi32, #tpu.memory_space<vmem>>) target_semaphore(%arg13 : memref<!tpu.dma_semaphore, #tpu.memory_space<semaphore_mem>>)
      %add3A_25 = arith.constant 128 : i32
      %add3A_26 = arith.addi %add3A_11, %add3A_25 : i32
      %dma_start3A_27 = arith.constant 0 : i32
      %dma_start3A_28 = tpu.memref_slice %arg2[%add3A_26, %dma_start3A_27] : memref<81920x128xf32, #tpu.memory_space<hbm>> -> memref<128x128xf32, #tpu.memory_space<hbm>>
      %dma_start3A_29 = arith.constant 0 : i32
      %dma_start3A_30 = tpu.memref_slice %arg2[%add3A_26, %dma_start3A_29] : memref<81920x128xf32, #tpu.memory_space<hbm>> -> memref<128x128xf32, #tpu.memory_space<hbm>>
      tpu.enqueue_dma source(%dma_start3A_30 : memref<128x128xf32, #tpu.memory_space<hbm>>) target(%arg10 : memref<128x128xf32, #tpu.memory_space<vmem>>) target_semaphore(%arg13 : memref<!tpu.dma_semaphore, #tpu.memory_space<semaphore_mem>>)
      %add3A_31 = arith.constant 256 : i32
      %add3A_32 = arith.addi %add3A_11, %add3A_31 : i32
      %dma_start3A_33 = tpu.memref_slice %arg3[%add3A_32] : memref<81920xi32, #tpu.memory_space<hbm>> -> memref<128xi32, #tpu.memory_space<hbm>>
      %dma_start3A_34 = tpu.memref_slice %arg3[%add3A_32] : memref<81920xi32, #tpu.memory_space<hbm>> -> memref<128xi32, #tpu.memory_space<hbm>>
      tpu.enqueue_dma source(%dma_start3A_34 : memref<128xi32, #tpu.memory_space<hbm>>) target(%arg7 : memref<128xi32, #tpu.memory_space<vmem>>) target_semaphore(%arg13 : memref<!tpu.dma_semaphore, #tpu.memory_space<semaphore_mem>>)
      %add3A_35 = arith.constant 256 : i32
      %add3A_36 = arith.addi %add3A_11, %add3A_35 : i32
      %dma_start3A_37 = arith.constant 0 : i32
      %dma_start3A_38 = tpu.memref_slice %arg2[%add3A_36, %dma_start3A_37] : memref<81920x128xf32, #tpu.memory_space<hbm>> -> memref<128x128xf32, #tpu.memory_space<hbm>>
      %dma_start3A_39 = arith.constant 0 : i32
      %dma_start3A_40 = tpu.memref_slice %arg2[%add3A_36, %dma_start3A_39] : memref<81920x128xf32, #tpu.memory_space<hbm>> -> memref<128x128xf32, #tpu.memory_space<hbm>>
      tpu.enqueue_dma source(%dma_start3A_40 : memref<128x128xf32, #tpu.memory_space<hbm>>) target(%arg11 : memref<128x128xf32, #tpu.memory_space<vmem>>) target_semaphore(%arg13 : memref<!tpu.dma_semaphore, #tpu.memory_space<semaphore_mem>>)
      %add3A_41 = arith.constant 384 : i32
      %add3A_42 = arith.addi %add3A_11, %add3A_41 : i32
      %dma_start3A_43 = tpu.memref_slice %arg3[%add3A_42] : memref<81920xi32, #tpu.memory_space<hbm>> -> memref<128xi32, #tpu.memory_space<hbm>>
      %dma_start3A_44 = tpu.memref_slice %arg3[%add3A_42] : memref<81920xi32, #tpu.memory_space<hbm>> -> memref<128xi32, #tpu.memory_space<hbm>>
      tpu.enqueue_dma source(%dma_start3A_44 : memref<128xi32, #tpu.memory_space<hbm>>) target(%arg8 : memref<128xi32, #tpu.memory_space<vmem>>) target_semaphore(%arg13 : memref<!tpu.dma_semaphore, #tpu.memory_space<semaphore_mem>>)
      %add3A_45 = arith.constant 384 : i32
      %add3A_46 = arith.addi %add3A_11, %add3A_45 : i32
      %dma_start3A_47 = arith.constant 0 : i32
      %dma_start3A_48 = tpu.memref_slice %arg2[%add3A_46, %dma_start3A_47] : memref<81920x128xf32, #tpu.memory_space<hbm>> -> memref<128x128xf32, #tpu.memory_space<hbm>>
      %dma_start3A_49 = arith.constant 0 : i32
      %dma_start3A_50 = tpu.memref_slice %arg2[%add3A_46, %dma_start3A_49] : memref<81920x128xf32, #tpu.memory_space<hbm>> -> memref<128x128xf32, #tpu.memory_space<hbm>>
      tpu.enqueue_dma source(%dma_start3A_50 : memref<128x128xf32, #tpu.memory_space<hbm>>) target(%arg12 : memref<128x128xf32, #tpu.memory_space<vmem>>) target_semaphore(%arg13 : memref<!tpu.dma_semaphore, #tpu.memory_space<semaphore_mem>>)
      %add3A_51 = arith.constant 0 : i32
      %add3A_52 = arith.addi %add3A_11, %add3A_51 : i32
      %dma_wait3A = tpu.memref_slice %arg3[%add3A_52] : memref<81920xi32, #tpu.memory_space<hbm>> -> memref<128xi32, #tpu.memory_space<hbm>>
      %dma_wait3A_53 = tpu.memref_slice %arg3[%add3A_52] : memref<81920xi32, #tpu.memory_space<hbm>> -> memref<128xi32, #tpu.memory_space<hbm>>
      tpu.wait_dma2 semaphore(%arg13 : memref<!tpu.dma_semaphore, #tpu.memory_space<semaphore_mem>>) src(%dma_wait3A_53 : memref<128xi32, #tpu.memory_space<hbm>>) dst(%arg5 : memref<128xi32, #tpu.memory_space<vmem>>)
      %add3A_54 = arith.constant 0 : i32
      %add3A_55 = arith.addi %add3A_11, %add3A_54 : i32
      %dma_wait3A_56 = arith.constant 0 : i32
      %dma_wait3A_57 = tpu.memref_slice %arg2[%add3A_55, %dma_wait3A_56] : memref<81920x128xf32, #tpu.memory_space<hbm>> -> memref<128x128xf32, #tpu.memory_space<hbm>>
      %dma_wait3A_58 = arith.constant 0 : i32
      %dma_wait3A_59 = tpu.memref_slice %arg2[%add3A_55, %dma_wait3A_58] : memref<81920x128xf32, #tpu.memory_space<hbm>> -> memref<128x128xf32, #tpu.memory_space<hbm>>
      tpu.wait_dma2 semaphore(%arg13 : memref<!tpu.dma_semaphore, #tpu.memory_space<semaphore_mem>>) src(%dma_wait3A_59 : memref<128x128xf32, #tpu.memory_space<hbm>>) dst(%arg9 : memref<128x128xf32, #tpu.memory_space<vmem>>)
      %add3A_60 = arith.constant 128 : i32
      %add3A_61 = arith.addi %add3A_11, %add3A_60 : i32
      %dma_wait3A_62 = tpu.memref_slice %arg3[%add3A_61] : memref<81920xi32, #tpu.memory_space<hbm>> -> memref<128xi32, #tpu.memory_space<hbm>>
      %dma_wait3A_63 = tpu.memref_slice %arg3[%add3A_61] : memref<81920xi32, #tpu.memory_space<hbm>> -> memref<128xi32, #tpu.memory_space<hbm>>
      tpu.wait_dma2 semaphore(%arg13 : memref<!tpu.dma_semaphore, #tpu.memory_space<semaphore_mem>>) src(%dma_wait3A_63 : memref<128xi32, #tpu.memory_space<hbm>>) dst(%arg6 : memref<128xi32, #tpu.memory_space<vmem>>)
      %add3A_64 = arith.constant 128 : i32
      %add3A_65 = arith.addi %add3A_11, %add3A_64 : i32
      %dma_wait3A_66 = arith.constant 0 : i32
      %dma_wait3A_67 = tpu.memref_slice %arg2[%add3A_65, %dma_wait3A_66] : memref<81920x128xf32, #tpu.memory_space<hbm>> -> memref<128x128xf32, #tpu.memory_space<hbm>>
      %dma_wait3A_68 = arith.constant 0 : i32
      %dma_wait3A_69 = tpu.memref_slice %arg2[%add3A_65, %dma_wait3A_68] : memref<81920x128xf32, #tpu.memory_space<hbm>> -> memref<128x128xf32, #tpu.memory_space<hbm>>
      tpu.wait_dma2 semaphore(%arg13 : memref<!tpu.dma_semaphore, #tpu.memory_space<semaphore_mem>>) src(%dma_wait3A_69 : memref<128x128xf32, #tpu.memory_space<hbm>>) dst(%arg10 : memref<128x128xf32, #tpu.memory_space<vmem>>)
      %add3A_70 = arith.constant 256 : i32
      %add3A_71 = arith.addi %add3A_11, %add3A_70 : i32
      %dma_wait3A_72 = tpu.memref_slice %arg3[%add3A_71] : memref<81920xi32, #tpu.memory_space<hbm>> -> memref<128xi32, #tpu.memory_space<hbm>>
      %dma_wait3A_73 = tpu.memref_slice %arg3[%add3A_71] : memref<81920xi32, #tpu.memory_space<hbm>> -> memref<128xi32, #tpu.memory_space<hbm>>
      tpu.wait_dma2 semaphore(%arg13 : memref<!tpu.dma_semaphore, #tpu.memory_space<semaphore_mem>>) src(%dma_wait3A_73 : memref<128xi32, #tpu.memory_space<hbm>>) dst(%arg7 : memref<128xi32, #tpu.memory_space<vmem>>)
      %add3A_74 = arith.constant 256 : i32
      %add3A_75 = arith.addi %add3A_11, %add3A_74 : i32
      %dma_wait3A_76 = arith.constant 0 : i32
      %dma_wait3A_77 = tpu.memref_slice %arg2[%add3A_75, %dma_wait3A_76] : memref<81920x128xf32, #tpu.memory_space<hbm>> -> memref<128x128xf32, #tpu.memory_space<hbm>>
      %dma_wait3A_78 = arith.constant 0 : i32
      %dma_wait3A_79 = tpu.memref_slice %arg2[%add3A_75, %dma_wait3A_78] : memref<81920x128xf32, #tpu.memory_space<hbm>> -> memref<128x128xf32, #tpu.memory_space<hbm>>
      tpu.wait_dma2 semaphore(%arg13 : memref<!tpu.dma_semaphore, #tpu.memory_space<semaphore_mem>>) src(%dma_wait3A_79 : memref<128x128xf32, #tpu.memory_space<hbm>>) dst(%arg11 : memref<128x128xf32, #tpu.memory_space<vmem>>)
      %add3A_80 = arith.constant 384 : i32
      %add3A_81 = arith.addi %add3A_11, %add3A_80 : i32
      %dma_wait3A_82 = tpu.memref_slice %arg3[%add3A_81] : memref<81920xi32, #tpu.memory_space<hbm>> -> memref<128xi32, #tpu.memory_space<hbm>>
      %dma_wait3A_83 = tpu.memref_slice %arg3[%add3A_81] : memref<81920xi32, #tpu.memory_space<hbm>> -> memref<128xi32, #tpu.memory_space<hbm>>
      tpu.wait_dma2 semaphore(%arg13 : memref<!tpu.dma_semaphore, #tpu.memory_space<semaphore_mem>>) src(%dma_wait3A_83 : memref<128xi32, #tpu.memory_space<hbm>>) dst(%arg8 : memref<128xi32, #tpu.memory_space<vmem>>)
      %add3A_84 = arith.constant 384 : i32
      %add3A_85 = arith.addi %add3A_11, %add3A_84 : i32
      %dma_wait3A_86 = arith.constant 0 : i32
      %dma_wait3A_87 = tpu.memref_slice %arg2[%add3A_85, %dma_wait3A_86] : memref<81920x128xf32, #tpu.memory_space<hbm>> -> memref<128x128xf32, #tpu.memory_space<hbm>>
      %dma_wait3A_88 = arith.constant 0 : i32
      %dma_wait3A_89 = tpu.memref_slice %arg2[%add3A_85, %dma_wait3A_88] : memref<81920x128xf32, #tpu.memory_space<hbm>> -> memref<128x128xf32, #tpu.memory_space<hbm>>
      tpu.wait_dma2 semaphore(%arg13 : memref<!tpu.dma_semaphore, #tpu.memory_space<semaphore_mem>>) src(%dma_wait3A_89 : memref<128x128xf32, #tpu.memory_space<hbm>>) dst(%arg12 : memref<128x128xf32, #tpu.memory_space<vmem>>)
      %dma_start3A_90 = arith.constant 0 : i32
      %dma_start3A_91 = arith.constant 0 : i32
      %dma_start3A_92 = tpu.memref_slice %arg4[%dma_start3A_90, %dma_start3A_91] : memref<81920x128xf32, #tpu.memory_space<hbm>> -> memref<81920x128xf32, #tpu.memory_space<hbm>>
      tpu.enqueue_indirect_dma source(%arg9 : memref<128x128xf32, #tpu.memory_space<vmem>>) target(%dma_start3A_92 : memref<81920x128xf32, #tpu.memory_space<hbm>>) offsets(%arg5 : memref<128xi32, #tpu.memory_space<vmem>>) semaphore(%arg13 : memref<!tpu.dma_semaphore, #tpu.memory_space<semaphore_mem>>)
      %dma_start3A_93 = arith.constant 0 : i32
      %dma_start3A_94 = arith.constant 0 : i32
      %dma_start3A_95 = tpu.memref_slice %arg4[%dma_start3A_93, %dma_start3A_94] : memref<81920x128xf32, #tpu.memory_space<hbm>> -> memref<81920x128xf32, #tpu.memory_space<hbm>>
      tpu.enqueue_indirect_dma source(%arg10 : memref<128x128xf32, #tpu.memory_space<vmem>>) target(%dma_start3A_95 : memref<81920x128xf32, #tpu.memory_space<hbm>>) offsets(%arg6 : memref<128xi32, #tpu.memory_space<vmem>>) semaphore(%arg13 : memref<!tpu.dma_semaphore, #tpu.memory_space<semaphore_mem>>)
      %dma_start3A_96 = arith.constant 0 : i32
      %dma_start3A_97 = arith.constant 0 : i32
      %dma_start3A_98 = tpu.memref_slice %arg4[%dma_start3A_96, %dma_start3A_97] : memref<81920x128xf32, #tpu.memory_space<hbm>> -> memref<81920x128xf32, #tpu.memory_space<hbm>>
      tpu.enqueue_indirect_dma source(%arg11 : memref<128x128xf32, #tpu.memory_space<vmem>>) target(%dma_start3A_98 : memref<81920x128xf32, #tpu.memory_space<hbm>>) offsets(%arg7 : memref<128xi32, #tpu.memory_space<vmem>>) semaphore(%arg13 : memref<!tpu.dma_semaphore, #tpu.memory_space<semaphore_mem>>)
      %dma_start3A_99 = arith.constant 0 : i32
      %dma_start3A_100 = arith.constant 0 : i32
      %dma_start3A_101 = tpu.memref_slice %arg4[%dma_start3A_99, %dma_start3A_100] : memref<81920x128xf32, #tpu.memory_space<hbm>> -> memref<81920x128xf32, #tpu.memory_space<hbm>>
      tpu.enqueue_indirect_dma source(%arg12 : memref<128x128xf32, #tpu.memory_space<vmem>>) target(%dma_start3A_101 : memref<81920x128xf32, #tpu.memory_space<hbm>>) offsets(%arg8 : memref<128xi32, #tpu.memory_space<vmem>>) semaphore(%arg13 : memref<!tpu.dma_semaphore, #tpu.memory_space<semaphore_mem>>)
      %dma_wait3A_102 = arith.constant 0 : i32
      %dma_wait3A_103 = arith.constant 0 : i32
      %dma_wait3A_104 = tpu.memref_slice %arg4[%dma_wait3A_102, %dma_wait3A_103] : memref<81920x128xf32, #tpu.memory_space<hbm>> -> memref<81920x128xf32, #tpu.memory_space<hbm>>
      tpu.wait_indirect_dma semaphore(%arg13 : memref<!tpu.dma_semaphore, #tpu.memory_space<semaphore_mem>>) src(%arg9 : memref<128x128xf32, #tpu.memory_space<vmem>>) dst(%dma_wait3A_104 : memref<81920x128xf32, #tpu.memory_space<hbm>>)
      %dma_wait3A_105 = arith.constant 0 : i32
      %dma_wait3A_106 = arith.constant 0 : i32
      %dma_wait3A_107 = tpu.memref_slice %arg4[%dma_wait3A_105, %dma_wait3A_106] : memref<81920x128xf32, #tpu.memory_space<hbm>> -> memref<81920x128xf32, #tpu.memory_space<hbm>>
      tpu.wait_indirect_dma semaphore(%arg13 : memref<!tpu.dma_semaphore, #tpu.memory_space<semaphore_mem>>) src(%arg10 : memref<128x128xf32, #tpu.memory_space<vmem>>) dst(%dma_wait3A_107 : memref<81920x128xf32, #tpu.memory_space<hbm>>)
      %dma_wait3A_108 = arith.constant 0 : i32
      %dma_wait3A_109 = arith.constant 0 : i32
      %dma_wait3A_110 = tpu.memref_slice %arg4[%dma_wait3A_108, %dma_wait3A_109] : memref<81920x128xf32, #tpu.memory_space<hbm>> -> memref<81920x128xf32, #tpu.memory_space<hbm>>
      tpu.wait_indirect_dma semaphore(%arg13 : memref<!tpu.dma_semaphore, #tpu.memory_space<semaphore_mem>>) src(%arg11 : memref<128x128xf32, #tpu.memory_space<vmem>>) dst(%dma_wait3A_110 : memref<81920x128xf32, #tpu.memory_space<hbm>>)
      %dma_wait3A_111 = arith.constant 0 : i32
      %dma_wait3A_112 = arith.constant 0 : i32
      %dma_wait3A_113 = tpu.memref_slice %arg4[%dma_wait3A_111, %dma_wait3A_112] : memref<81920x128xf32, #tpu.memory_space<hbm>> -> memref<81920x128xf32, #tpu.memory_space<hbm>>
      tpu.wait_indirect_dma semaphore(%arg13 : memref<!tpu.dma_semaphore, #tpu.memory_space<semaphore_mem>>) src(%arg12 : memref<128x128xf32, #tpu.memory_space<vmem>>) dst(%dma_wait3A_113 : memref<81920x128xf32, #tpu.memory_space<hbm>>)
    }
    %scan3A_7 = arith.constant 5 : i32
    return
  }
}

module attributes {stable_mosaic.version = 14 : i64} {
  func.func @_rnn_kernel(%arg0: i32, %arg1: i32, %arg2: memref<20xi32, #tpu.memory_space<smem>>, %arg3: memref<1024x128xf32, #tpu.memory_space<vmem>>, %arg4: memref<256x512xf32, #tpu.memory_space<vmem>>, %arg5: memref<512x1536xbf16, #tpu.memory_space<vmem>>, %arg6: memref<512x1536xbf16, #tpu.memory_space<vmem>>, %arg7: memref<512x1536xbf16, #tpu.memory_space<vmem>>, %arg8: memref<512x1536xbf16, #tpu.memory_space<vmem>>, %arg9: memref<512x512xbf16, #tpu.memory_space<vmem>>, %arg10: memref<512x512xbf16, #tpu.memory_space<vmem>>, %arg11: memref<1x1536xf32, #tpu.memory_space<vmem>>, %arg12: memref<1x1536xf32, #tpu.memory_space<vmem>>, %arg13: memref<1x1536xf32, #tpu.memory_space<vmem>>, %arg14: memref<1x1536xf32, #tpu.memory_space<vmem>>, %arg15: memref<1x512xf32, #tpu.memory_space<vmem>>, %arg16: memref<1024x20x512xf32, #tpu.memory_space<any>>, %arg17: memref<1024x20x512xf32, #tpu.memory_space<any>>, %arg18: memref<1024x512xf32, #tpu.memory_space<vmem>>, %arg19: memref<1024x512xf32, #tpu.memory_space<vmem>>, %arg20: memref<2x256x512xf32, #tpu.memory_space<vmem>>, %arg21: memref<2x256x512xf32, #tpu.memory_space<vmem>>, %arg22: memref<2x!tpu.dma_semaphore, #tpu.memory_space<semaphore_mem>>) attributes {dimension_semantics = [#tpu.dimension_semantics<arbitrary>, #tpu.dimension_semantics<arbitrary>], iteration_bounds = array<i64: 4, 20>, scalar_prefetch = 1 : i64, scratch_operands = 5 : i64, tpu.core_type = #tpu.core_type<tc>, window_params = [{transform_indices = @transform_0, window_bounds = array<i64: 1024, 128>}, {transform_indices = @transform_1, window_bounds = array<i64: 256, 512>}, {pipeline_mode = #tpu.pipeline_mode<synchronous>, transform_indices = @transform_2, window_bounds = array<i64: 512, 1536>}, {pipeline_mode = #tpu.pipeline_mode<synchronous>, transform_indices = @transform_3, window_bounds = array<i64: 512, 1536>}, {pipeline_mode = #tpu.pipeline_mode<synchronous>, transform_indices = @transform_4, window_bounds = array<i64: 512, 1536>}, {pipeline_mode = #tpu.pipeline_mode<synchronous>, transform_indices = @transform_5, window_bounds = array<i64: 512, 1536>}, {pipeline_mode = #tpu.pipeline_mode<synchronous>, transform_indices = @transform_6, window_bounds = array<i64: 512, 512>}, {pipeline_mode = #tpu.pipeline_mode<synchronous>, transform_indices = @transform_7, window_bounds = array<i64: 512, 512>}, {pipeline_mode = #tpu.pipeline_mode<synchronous>, transform_indices = @transform_8, window_bounds = array<i64: 1, 1536>}, {pipeline_mode = #tpu.pipeline_mode<synchronous>, transform_indices = @transform_9, window_bounds = array<i64: 1, 1536>}, {pipeline_mode = #tpu.pipeline_mode<synchronous>, transform_indices = @transform_10, window_bounds = array<i64: 1, 1536>}, {pipeline_mode = #tpu.pipeline_mode<synchronous>, transform_indices = @transform_11, window_bounds = array<i64: 1, 1536>}, {pipeline_mode = #tpu.pipeline_mode<synchronous>, transform_indices = @transform_12, window_bounds = array<i64: 1, 512>}, {}, {}]} {
    %mul3A = arith.constant 256 : i32
    %mul3A_0 = arith.muli %arg0, %mul3A : i32
    %get3A = arith.index_cast %arg1 : i32 to index
    %get3A_1 = memref.load %arg2[%get3A] : memref<20xi32, #tpu.memory_space<smem>>
    %mul3A_2 = arith.constant 20 : i32
    %mul3A_3 = arith.muli %arg0, %mul3A_2 : i32
    %add3A = arith.addi %mul3A_3, %arg1 : i32
    %rem3A = arith.constant 2 : i32
    %rem3A_4 = arith.remsi %add3A, %rem3A : i32
    %ge3A = arith.constant 2 : i32
    %ge3A_5 = arith.cmpi sge, %add3A, %ge3A : i32
    %convert_element_type3A = arith.extui %ge3A_5 : i1 to i32
    %cond3A = arith.constant 0 : i32
    %cond3A_6 = arith.cmpi ne, %convert_element_type3A, %cond3A : i32
    scf.if %cond3A_6 {
      %dma_wait3A = tpu.memref_slice %arg22[%rem3A_4] : memref<2x!tpu.dma_semaphore, #tpu.memory_space<semaphore_mem>> -> memref<1x!tpu.dma_semaphore, #tpu.memory_space<semaphore_mem>>
      %dma_wait3A_40 = tpu.memref_squeeze %dma_wait3A : memref<1x!tpu.dma_semaphore, #tpu.memory_space<semaphore_mem>> -> memref<!tpu.dma_semaphore, #tpu.memory_space<semaphore_mem>>
      %dma_wait3A_41 = arith.constant 0 : i32
      %dma_wait3A_42 = tpu.memref_slice %arg16[%mul3A_0, %arg1, %dma_wait3A_41] : memref<1024x20x512xf32, #tpu.memory_space<any>> -> memref<256x1x512xf32, #tpu.memory_space<any>>
      %dma_wait3A_43 = tpu.memref_squeeze %dma_wait3A_42 : memref<256x1x512xf32, #tpu.memory_space<any>> -> memref<256x512xf32, #tpu.memory_space<any>>
      %dma_wait3A_44 = arith.constant 0 : i32
      %dma_wait3A_45 = arith.constant 0 : i32
      %dma_wait3A_46 = tpu.memref_slice %arg20[%rem3A_4, %dma_wait3A_44, %dma_wait3A_45] : memref<2x256x512xf32, #tpu.memory_space<vmem>> -> memref<1x256x512xf32, #tpu.memory_space<vmem>>
      %dma_wait3A_47 = tpu.memref_squeeze %dma_wait3A_46 : memref<1x256x512xf32, #tpu.memory_space<vmem>> -> memref<256x512xf32, #tpu.memory_space<vmem>>
      tpu.wait_dma2 semaphore(%dma_wait3A_40 : memref<!tpu.dma_semaphore, #tpu.memory_space<semaphore_mem>>) src(%dma_wait3A_47 : memref<256x512xf32, #tpu.memory_space<vmem>>) dst(%dma_wait3A_43 : memref<256x512xf32, #tpu.memory_space<any>>)
      %dma_wait3A_48 = tpu.memref_slice %arg22[%rem3A_4] : memref<2x!tpu.dma_semaphore, #tpu.memory_space<semaphore_mem>> -> memref<1x!tpu.dma_semaphore, #tpu.memory_space<semaphore_mem>>
      %dma_wait3A_49 = tpu.memref_squeeze %dma_wait3A_48 : memref<1x!tpu.dma_semaphore, #tpu.memory_space<semaphore_mem>> -> memref<!tpu.dma_semaphore, #tpu.memory_space<semaphore_mem>>
      %dma_wait3A_50 = arith.constant 0 : i32
      %dma_wait3A_51 = tpu.memref_slice %arg17[%mul3A_0, %arg1, %dma_wait3A_50] : memref<1024x20x512xf32, #tpu.memory_space<any>> -> memref<256x1x512xf32, #tpu.memory_space<any>>
      %dma_wait3A_52 = tpu.memref_squeeze %dma_wait3A_51 : memref<256x1x512xf32, #tpu.memory_space<any>> -> memref<256x512xf32, #tpu.memory_space<any>>
      %dma_wait3A_53 = arith.constant 0 : i32
      %dma_wait3A_54 = arith.constant 0 : i32
      %dma_wait3A_55 = tpu.memref_slice %arg21[%rem3A_4, %dma_wait3A_53, %dma_wait3A_54] : memref<2x256x512xf32, #tpu.memory_space<vmem>> -> memref<1x256x512xf32, #tpu.memory_space<vmem>>
      %dma_wait3A_56 = tpu.memref_squeeze %dma_wait3A_55 : memref<1x256x512xf32, #tpu.memory_space<vmem>> -> memref<256x512xf32, #tpu.memory_space<vmem>>
      tpu.wait_dma2 semaphore(%dma_wait3A_49 : memref<!tpu.dma_semaphore, #tpu.memory_space<semaphore_mem>>) src(%dma_wait3A_56 : memref<256x512xf32, #tpu.memory_space<vmem>>) dst(%dma_wait3A_52 : memref<256x512xf32, #tpu.memory_space<any>>)
    } else {
    }
    %eq3A = arith.constant 0 : i32
    %eq3A_7 = arith.cmpi eq, %arg1, %eq3A : i32
    %convert_element_type3A_8 = arith.extui %eq3A_7 : i1 to i32
    %cond3A_9 = arith.constant 0 : i32
    %cond3A_10 = arith.cmpi ne, %convert_element_type3A_8, %cond3A_9 : i32
    scf.if %cond3A_10 {
      %broadcast_in_dim3A = arith.constant 0.000000e+00 : f32
      %broadcast_in_dim3A_40 = vector.broadcast %broadcast_in_dim3A : f32 to vector<256x512xf32>
      %swap3A = arith.index_cast %mul3A_0 : i32 to index
      %swap3A_41 = arith.constant 0 : index
      %swap3A_42 = vector.load %arg18[%swap3A, %swap3A_41] : memref<1024x512xf32, #tpu.memory_space<vmem>>, vector<256x512xf32>
      tpu.vector_store %arg18[%swap3A, %swap3A_41], %broadcast_in_dim3A_40 {strides = array<i32>} : memref<1024x512xf32, #tpu.memory_space<vmem>>, vector<256x512xf32>,
      %broadcast_in_dim3A_43 = arith.constant 0.000000e+00 : f32
      %broadcast_in_dim3A_44 = vector.broadcast %broadcast_in_dim3A_43 : f32 to vector<256x512xf32>
      %swap3A_45 = arith.index_cast %mul3A_0 : i32 to index
      %swap3A_46 = arith.constant 0 : index
      %swap3A_47 = vector.load %arg19[%swap3A_45, %swap3A_46] : memref<1024x512xf32, #tpu.memory_space<vmem>>, vector<256x512xf32>
      tpu.vector_store %arg19[%swap3A_45, %swap3A_46], %broadcast_in_dim3A_44 {strides = array<i32>} : memref<1024x512xf32, #tpu.memory_space<vmem>>, vector<256x512xf32>,
    } else {
    }
    %lt3A = arith.cmpi slt, %mul3A_0, %get3A_1 : i32
    %convert_element_type3A_11 = arith.extui %lt3A : i1 to i32
    %cond3A_12 = arith.constant 0 : i32
    %cond3A_13 = arith.cmpi ne, %convert_element_type3A_11, %cond3A_12 : i32
    scf.if %cond3A_13 {
      %get3A_40 = arith.constant 0 : index
      %get3A_41 = arith.constant 0 : index
      %get3A_42 = vector.load %arg3[%get3A_40, %get3A_41] : memref<1024x128xf32, #tpu.memory_space<vmem>>, vector<1024x128xf32>
      %slice3A = vector.extract_strided_slice %get3A_42 {offsets = [0, 0], sizes = [256, 128], strides = [1, 1]} : vector<1024x128xf32> to vector<256x128xf32>
      %slice3A_43 = vector.extract_strided_slice %get3A_42 {offsets = [256, 0], sizes = [256, 128], strides = [1, 1]} : vector<1024x128xf32> to vector<256x128xf32>
      %slice3A_44 = vector.extract_strided_slice %get3A_42 {offsets = [512, 0], sizes = [256, 128], strides = [1, 1]} : vector<1024x128xf32> to vector<256x128xf32>
      %slice3A_45 = vector.extract_strided_slice %get3A_42 {offsets = [768, 0], sizes = [256, 128], strides = [1, 1]} : vector<1024x128xf32> to vector<256x128xf32>
      %concatenate3A = tpu.concatenate %slice3A, %slice3A_43, %slice3A_44, %slice3A_45 in 1 : vector<256x128xf32>, vector<256x128xf32>, vector<256x128xf32>, vector<256x128xf32> -> vector<256x512xf32>
      %convert_element_type3A_46 = arith.truncf %concatenate3A : vector<256x512xf32> to vector<256x512xbf16>
      %get3A_47 = arith.index_cast %mul3A_0 : i32 to index
      %get3A_48 = arith.constant 0 : index
      %get3A_49 = vector.load %arg18[%get3A_47, %get3A_48] : memref<1024x512xf32, #tpu.memory_space<vmem>>, vector<256x512xf32>
      %get3A_50 = arith.index_cast %mul3A_0 : i32 to index
      %get3A_51 = arith.constant 0 : index
      %get3A_52 = vector.load %arg19[%get3A_50, %get3A_51] : memref<1024x512xf32, #tpu.memory_space<vmem>>, vector<256x512xf32>
      %get3A_53 = arith.constant 0 : index
      %get3A_54 = arith.constant 0 : index
      %get3A_55 = vector.load %arg5[%get3A_53, %get3A_54] : memref<512x1536xbf16, #tpu.memory_space<vmem>>, vector<512x1536xbf16>
      %dot_general3A = arith.constant dense<0.000000e+00> : vector<256x1536xf32>
      %dot_general3A_56 = tpu.matmul %convert_element_type3A_46, %get3A_55, %dot_general3A {dimension_numbers = #tpu.dot_dimension_numbers<[1], [0], [0], [1], [0, 0, 1, 1], [], []>, transpose_lhs_hint = false} : vector<256x512xbf16>, vector<512x1536xbf16>, vector<256x1536xf32> -> vector<256x1536xf32>
      %get3A_57 = arith.constant 0 : index
      %get3A_58 = arith.constant 0 : index
      %get3A_59 = vector.load %arg11[%get3A_57, %get3A_58] : memref<1x1536xf32, #tpu.memory_space<vmem>>, vector<1x1536xf32>
      %add3A_60 = vector.broadcast %get3A_59 : vector<1x1536xf32> to vector<256x1536xf32>
      %add3A_61 = arith.addf %dot_general3A_56, %add3A_60 : vector<256x1536xf32>
      %convert_element_type3A_62 = arith.truncf %get3A_49 : vector<256x512xf32> to vector<256x512xbf16>
      %get3A_63 = arith.constant 0 : index
      %get3A_64 = arith.constant 0 : index
      %get3A_65 = vector.load %arg6[%get3A_63, %get3A_64] : memref<512x1536xbf16, #tpu.memory_space<vmem>>, vector<512x1536xbf16>
      %dot_general3A_66 = arith.constant dense<0.000000e+00> : vector<256x1536xf32>
      %dot_general3A_67 = tpu.matmul %convert_element_type3A_62, %get3A_65, %dot_general3A_66 {dimension_numbers = #tpu.dot_dimension_numbers<[1], [0], [0], [1], [0, 0, 1, 1], [], []>, transpose_lhs_hint = false} : vector<256x512xbf16>, vector<512x1536xbf16>, vector<256x1536xf32> -> vector<256x1536xf32>
      %get3A_68 = arith.constant 0 : index
      %get3A_69 = arith.constant 0 : index
      %get3A_70 = vector.load %arg12[%get3A_68, %get3A_69] : memref<1x1536xf32, #tpu.memory_space<vmem>>, vector<1x1536xf32>
      %add3A_71 = vector.broadcast %get3A_70 : vector<1x1536xf32> to vector<256x1536xf32>
      %add3A_72 = arith.addf %dot_general3A_67, %add3A_71 : vector<256x1536xf32>
      %slice3A_73 = vector.extract_strided_slice %add3A_61 {offsets = [0, 0], sizes = [256, 512], strides = [1, 1]} : vector<256x1536xf32> to vector<256x512xf32>
      %slice3A_74 = vector.extract_strided_slice %add3A_72 {offsets = [0, 0], sizes = [256, 512], strides = [1, 1]} : vector<256x1536xf32> to vector<256x512xf32>
      %add3A_75 = arith.addf %slice3A_73, %slice3A_74 : vector<256x512xf32>
      %logistic3A = arith.negf %add3A_75 : vector<256x512xf32>
      %logistic3A_76 = math.exp %logistic3A : vector<256x512xf32>
      %logistic3A_77 = arith.constant 1.000000e+00 : f32
      %logistic3A_78 = vector.broadcast %logistic3A_77 : f32 to vector<256x512xf32>
      %logistic3A_79 = arith.addf %logistic3A_78, %logistic3A_76 : vector<256x512xf32>
      %logistic3A_80 = arith.divf %logistic3A_78, %logistic3A_79 : vector<256x512xf32>
      %slice3A_81 = vector.extract_strided_slice %add3A_61 {offsets = [0, 512], sizes = [256, 512], strides = [1, 1]} : vector<256x1536xf32> to vector<256x512xf32>
      %slice3A_82 = vector.extract_strided_slice %add3A_72 {offsets = [0, 512], sizes = [256, 512], strides = [1, 1]} : vector<256x1536xf32> to vector<256x512xf32>
      %add3A_83 = arith.addf %slice3A_81, %slice3A_82 : vector<256x512xf32>
      %logistic3A_84 = arith.negf %add3A_83 : vector<256x512xf32>
      %logistic3A_85 = math.exp %logistic3A_84 : vector<256x512xf32>
      %logistic3A_86 = arith.constant 1.000000e+00 : f32
      %logistic3A_87 = vector.broadcast %logistic3A_86 : f32 to vector<256x512xf32>
      %logistic3A_88 = arith.addf %logistic3A_87, %logistic3A_85 : vector<256x512xf32>
      %logistic3A_89 = arith.divf %logistic3A_87, %logistic3A_88 : vector<256x512xf32>
      %slice3A_90 = vector.extract_strided_slice %add3A_61 {offsets = [0, 1024], sizes = [256, 512], strides = [1, 1]} : vector<256x1536xf32> to vector<256x512xf32>
      %slice3A_91 = vector.extract_strided_slice %add3A_72 {offsets = [0, 1024], sizes = [256, 512], strides = [1, 1]} : vector<256x1536xf32> to vector<256x512xf32>
      %mul3A_92 = arith.mulf %logistic3A_80, %slice3A_91 : vector<256x512xf32>
      %add3A_93 = arith.addf %slice3A_90, %mul3A_92 : vector<256x512xf32>
      %tanh3A = math.tanh %add3A_93 : vector<256x512xf32>
      %sub3A = arith.constant 1.000000e+00 : f32
      %sub3A_94 = vector.broadcast %sub3A : f32 to vector<256x512xf32>
      %sub3A_95 = arith.subf %sub3A_94, %logistic3A_89 : vector<256x512xf32>
      %mul3A_96 = arith.mulf %sub3A_95, %tanh3A : vector<256x512xf32>
      %mul3A_97 = arith.mulf %logistic3A_89, %get3A_49 : vector<256x512xf32>
      %add3A_98 = arith.addf %mul3A_96, %mul3A_97 : vector<256x512xf32>
      %swap3A = arith.index_cast %mul3A_0 : i32 to index
      %swap3A_99 = arith.constant 0 : index
      %swap3A_100 = vector.load %arg18[%swap3A, %swap3A_99] : memref<1024x512xf32, #tpu.memory_space<vmem>>, vector<256x512xf32>
      tpu.vector_store %arg18[%swap3A, %swap3A_99], %add3A_98 {strides = array<i32>} : memref<1024x512xf32, #tpu.memory_space<vmem>>, vector<256x512xf32>,
      %convert_element_type3A_101 = arith.truncf %add3A_98 : vector<256x512xf32> to vector<256x512xbf16>
      %get3A_102 = arith.constant 0 : index
      %get3A_103 = arith.constant 0 : index
      %get3A_104 = vector.load %arg9[%get3A_102, %get3A_103] : memref<512x512xbf16, #tpu.memory_space<vmem>>, vector<512x512xbf16>
      %dot_general3A_105 = arith.constant dense<0.000000e+00> : vector<256x512xf32>
      %dot_general3A_106 = tpu.matmul %convert_element_type3A_101, %get3A_104, %dot_general3A_105 {dimension_numbers = #tpu.dot_dimension_numbers<[1], [0], [0], [1], [0, 0, 1, 1], [], []>, transpose_lhs_hint = false} : vector<256x512xbf16>, vector<512x512xbf16>, vector<256x512xf32> -> vector<256x512xf32>
      %get3A_107 = arith.constant 0 : index
      %get3A_108 = arith.constant 0 : index
      %get3A_109 = vector.load %arg4[%get3A_107, %get3A_108] : memref<256x512xf32, #tpu.memory_space<vmem>>, vector<256x512xf32>
      %add3A_110 = arith.addf %dot_general3A_106, %get3A_109 : vector<256x512xf32>
      %logistic3A_111 = arith.negf %add3A_110 : vector<256x512xf32>
      %logistic3A_112 = math.exp %logistic3A_111 : vector<256x512xf32>
      %logistic3A_113 = arith.constant 1.000000e+00 : f32
      %logistic3A_114 = vector.broadcast %logistic3A_113 : f32 to vector<256x512xf32>
      %logistic3A_115 = arith.addf %logistic3A_114, %logistic3A_112 : vector<256x512xf32>
      %logistic3A_116 = arith.divf %logistic3A_114, %logistic3A_115 : vector<256x512xf32>
      %mul3A_117 = arith.mulf %logistic3A_116, %concatenate3A : vector<256x512xf32>
      %convert_element_type3A_118 = arith.truncf %mul3A_117 : vector<256x512xf32> to vector<256x512xbf16>
      %get3A_119 = arith.constant 0 : index
      %get3A_120 = arith.constant 0 : index
      %get3A_121 = vector.load %arg7[%get3A_119, %get3A_120] : memref<512x1536xbf16, #tpu.memory_space<vmem>>, vector<512x1536xbf16>
      %dot_general3A_122 = arith.constant dense<0.000000e+00> : vector<256x1536xf32>
      %dot_general3A_123 = tpu.matmul %convert_element_type3A_118, %get3A_121, %dot_general3A_122 {dimension_numbers = #tpu.dot_dimension_numbers<[1], [0], [0], [1], [0, 0, 1, 1], [], []>, transpose_lhs_hint = false} : vector<256x512xbf16>, vector<512x1536xbf16>, vector<256x1536xf32> -> vector<256x1536xf32>
      %get3A_124 = arith.constant 0 : index
      %get3A_125 = arith.constant 0 : index
      %get3A_126 = vector.load %arg13[%get3A_124, %get3A_125] : memref<1x1536xf32, #tpu.memory_space<vmem>>, vector<1x1536xf32>
      %add3A_127 = vector.broadcast %get3A_126 : vector<1x1536xf32> to vector<256x1536xf32>
      %add3A_128 = arith.addf %dot_general3A_123, %add3A_127 : vector<256x1536xf32>
      %convert_element_type3A_129 = arith.truncf %get3A_52 : vector<256x512xf32> to vector<256x512xbf16>
      %get3A_130 = arith.constant 0 : index
      %get3A_131 = arith.constant 0 : index
      %get3A_132 = vector.load %arg8[%get3A_130, %get3A_131] : memref<512x1536xbf16, #tpu.memory_space<vmem>>, vector<512x1536xbf16>
      %dot_general3A_133 = arith.constant dense<0.000000e+00> : vector<256x1536xf32>
      %dot_general3A_134 = tpu.matmul %convert_element_type3A_129, %get3A_132, %dot_general3A_133 {dimension_numbers = #tpu.dot_dimension_numbers<[1], [0], [0], [1], [0, 0, 1, 1], [], []>, transpose_lhs_hint = false} : vector<256x512xbf16>, vector<512x1536xbf16>, vector<256x1536xf32> -> vector<256x1536xf32>
      %get3A_135 = arith.constant 0 : index
      %get3A_136 = arith.constant 0 : index
      %get3A_137 = vector.load %arg14[%get3A_135, %get3A_136] : memref<1x1536xf32, #tpu.memory_space<vmem>>, vector<1x1536xf32>
      %add3A_138 = vector.broadcast %get3A_137 : vector<1x1536xf32> to vector<256x1536xf32>
      %add3A_139 = arith.addf %dot_general3A_134, %add3A_138 : vector<256x1536xf32>
      %slice3A_140 = vector.extract_strided_slice %add3A_128 {offsets = [0, 0], sizes = [256, 512], strides = [1, 1]} : vector<256x1536xf32> to vector<256x512xf32>
      %slice3A_141 = vector.extract_strided_slice %add3A_139 {offsets = [0, 0], sizes = [256, 512], strides = [1, 1]} : vector<256x1536xf32> to vector<256x512xf32>
      %add3A_142 = arith.addf %slice3A_140, %slice3A_141 : vector<256x512xf32>
      %logistic3A_143 = arith.negf %add3A_142 : vector<256x512xf32>
      %logistic3A_144 = math.exp %logistic3A_143 : vector<256x512xf32>
      %logistic3A_145 = arith.constant 1.000000e+00 : f32
      %logistic3A_146 = vector.broadcast %logistic3A_145 : f32 to vector<256x512xf32>
      %logistic3A_147 = arith.addf %logistic3A_146, %logistic3A_144 : vector<256x512xf32>
      %logistic3A_148 = arith.divf %logistic3A_146, %logistic3A_147 : vector<256x512xf32>
      %slice3A_149 = vector.extract_strided_slice %add3A_128 {offsets = [0, 512], sizes = [256, 512], strides = [1, 1]} : vector<256x1536xf32> to vector<256x512xf32>
      %slice3A_150 = vector.extract_strided_slice %add3A_139 {offsets = [0, 512], sizes = [256, 512], strides = [1, 1]} : vector<256x1536xf32> to vector<256x512xf32>
      %add3A_151 = arith.addf %slice3A_149, %slice3A_150 : vector<256x512xf32>
      %logistic3A_152 = arith.negf %add3A_151 : vector<256x512xf32>
      %logistic3A_153 = math.exp %logistic3A_152 : vector<256x512xf32>
      %logistic3A_154 = arith.constant 1.000000e+00 : f32
      %logistic3A_155 = vector.broadcast %logistic3A_154 : f32 to vector<256x512xf32>
      %logistic3A_156 = arith.addf %logistic3A_155, %logistic3A_153 : vector<256x512xf32>
      %logistic3A_157 = arith.divf %logistic3A_155, %logistic3A_156 : vector<256x512xf32>
      %slice3A_158 = vector.extract_strided_slice %add3A_128 {offsets = [0, 1024], sizes = [256, 512], strides = [1, 1]} : vector<256x1536xf32> to vector<256x512xf32>
      %slice3A_159 = vector.extract_strided_slice %add3A_139 {offsets = [0, 1024], sizes = [256, 512], strides = [1, 1]} : vector<256x1536xf32> to vector<256x512xf32>
      %mul3A_160 = arith.mulf %logistic3A_148, %slice3A_159 : vector<256x512xf32>
      %add3A_161 = arith.addf %slice3A_158, %mul3A_160 : vector<256x512xf32>
      %tanh3A_162 = math.tanh %add3A_161 : vector<256x512xf32>
      %sub3A_163 = arith.constant 1.000000e+00 : f32
      %sub3A_164 = vector.broadcast %sub3A_163 : f32 to vector<256x512xf32>
      %sub3A_165 = arith.subf %sub3A_164, %logistic3A_157 : vector<256x512xf32>
      %mul3A_166 = arith.mulf %sub3A_165, %tanh3A_162 : vector<256x512xf32>
      %mul3A_167 = arith.mulf %logistic3A_157, %get3A_52 : vector<256x512xf32>
      %add3A_168 = arith.addf %mul3A_166, %mul3A_167 : vector<256x512xf32>
      %convert_element_type3A_169 = arith.truncf %add3A_168 : vector<256x512xf32> to vector<256x512xbf16>
      %get3A_170 = arith.constant 0 : index
      %get3A_171 = arith.constant 0 : index
      %get3A_172 = vector.load %arg10[%get3A_170, %get3A_171] : memref<512x512xbf16, #tpu.memory_space<vmem>>, vector<512x512xbf16>
      %dot_general3A_173 = arith.constant dense<0.000000e+00> : vector<256x512xf32>
      %dot_general3A_174 = tpu.matmul %convert_element_type3A_169, %get3A_172, %dot_general3A_173 {dimension_numbers = #tpu.dot_dimension_numbers<[1], [0], [0], [1], [0, 0, 1, 1], [], []>, transpose_lhs_hint = false} : vector<256x512xbf16>, vector<512x512xbf16>, vector<256x512xf32> -> vector<256x512xf32>
      %get3A_175 = arith.constant 0 : index
      %get3A_176 = arith.constant 0 : index
      %get3A_177 = vector.load %arg15[%get3A_175, %get3A_176] : memref<1x512xf32, #tpu.memory_space<vmem>>, vector<1x512xf32>
      %add3A_178 = vector.broadcast %get3A_177 : vector<1x512xf32> to vector<256x512xf32>
      %add3A_179 = arith.addf %dot_general3A_174, %add3A_178 : vector<256x512xf32>
      %swap3A_180 = arith.index_cast %mul3A_0 : i32 to index
      %swap3A_181 = arith.constant 0 : index
      %swap3A_182 = vector.load %arg19[%swap3A_180, %swap3A_181] : memref<1024x512xf32, #tpu.memory_space<vmem>>, vector<256x512xf32>
      tpu.vector_store %arg19[%swap3A_180, %swap3A_181], %add3A_179 {strides = array<i32>} : memref<1024x512xf32, #tpu.memory_space<vmem>>, vector<256x512xf32>,
      %iota3A = tpu.iota {dimensions = array<i32: 0>} : vector<256x512xi32>
      %add3A_183 = vector.broadcast %mul3A_0 : i32 to vector<256x512xi32>
      %add3A_184 = arith.addi %add3A_183, %iota3A : vector<256x512xi32>
      %lt3A_185 = vector.broadcast %get3A_1 : i32 to vector<256x512xi32>
      %lt3A_186 = arith.cmpi slt, %add3A_184, %lt3A_185 : vector<256x512xi32>
      %jit3A = arith.constant 0.000000e+00 : f32
      %broadcast_in_dim3A = vector.broadcast %jit3A : f32 to vector<256x512xf32>
      %select_n3A = arith.select %lt3A_186, %add3A_179, %broadcast_in_dim3A : vector<256x512xi1>, vector<256x512xf32>
      %swap3A_187 = arith.index_cast %rem3A_4 : i32 to index
      %swap3A_188 = arith.constant 0 : index
      %swap3A_189 = arith.constant 0 : index
      %swap3A_190 = vector.load %arg20[%swap3A_187, %swap3A_188, %swap3A_189] : memref<2x256x512xf32, #tpu.memory_space<vmem>>, vector<1x256x512xf32>
      %swap3A_191 = vector.shape_cast %swap3A_190 : vector<1x256x512xf32> to vector<256x512xf32>
      %swap3A_192 = vector.shape_cast %select_n3A : vector<256x512xf32> to vector<1x256x512xf32>
      tpu.vector_store %arg20[%swap3A_187, %swap3A_188, %swap3A_189], %swap3A_192 {strides = array<i32>} : memref<2x256x512xf32, #tpu.memory_space<vmem>>, vector<1x256x512xf32>,
      %jit3A_193 = arith.constant 0.000000e+00 : f32
      %broadcast_in_dim3A_194 = vector.broadcast %jit3A_193 : f32 to vector<256x512xf32>
      %select_n3A_195 = arith.select %lt3A_186, %logistic3A_116, %broadcast_in_dim3A_194 : vector<256x512xi1>, vector<256x512xf32>
      %swap3A_196 = arith.index_cast %rem3A_4 : i32 to index
      %swap3A_197 = arith.constant 0 : index
      %swap3A_198 = arith.constant 0 : index
      %swap3A_199 = vector.load %arg21[%swap3A_196, %swap3A_197, %swap3A_198] : memref<2x256x512xf32, #tpu.memory_space<vmem>>, vector<1x256x512xf32>
      %swap3A_200 = vector.shape_cast %swap3A_199 : vector<1x256x512xf32> to vector<256x512xf32>
      %swap3A_201 = vector.shape_cast %select_n3A_195 : vector<256x512xf32> to vector<1x256x512xf32>
      tpu.vector_store %arg21[%swap3A_196, %swap3A_197, %swap3A_198], %swap3A_201 {strides = array<i32>} : memref<2x256x512xf32, #tpu.memory_space<vmem>>, vector<1x256x512xf32>,
    } else {
    }
    %ge3A_14 = arith.cmpi sge, %mul3A_0, %get3A_1 : i32
    %convert_element_type3A_15 = arith.extui %ge3A_14 : i1 to i32
    %cond3A_16 = arith.constant 0 : i32
    %cond3A_17 = arith.cmpi ne, %convert_element_type3A_15, %cond3A_16 : i32
    scf.if %cond3A_17 {
      %broadcast_in_dim3A = arith.constant 0.000000e+00 : f32
      %broadcast_in_dim3A_40 = vector.broadcast %broadcast_in_dim3A : f32 to vector<256x512xf32>
      %swap3A = arith.index_cast %rem3A_4 : i32 to index
      %swap3A_41 = arith.constant 0 : index
      %swap3A_42 = arith.constant 0 : index
      %swap3A_43 = vector.load %arg20[%swap3A, %swap3A_41, %swap3A_42] : memref<2x256x512xf32, #tpu.memory_space<vmem>>, vector<1x256x512xf32>
      %swap3A_44 = vector.shape_cast %swap3A_43 : vector<1x256x512xf32> to vector<256x512xf32>
      %swap3A_45 = vector.shape_cast %broadcast_in_dim3A_40 : vector<256x512xf32> to vector<1x256x512xf32>
      tpu.vector_store %arg20[%swap3A, %swap3A_41, %swap3A_42], %swap3A_45 {strides = array<i32>} : memref<2x256x512xf32, #tpu.memory_space<vmem>>, vector<1x256x512xf32>,
      %broadcast_in_dim3A_46 = arith.constant 0.000000e+00 : f32
      %broadcast_in_dim3A_47 = vector.broadcast %broadcast_in_dim3A_46 : f32 to vector<256x512xf32>
      %swap3A_48 = arith.index_cast %rem3A_4 : i32 to index
      %swap3A_49 = arith.constant 0 : index
      %swap3A_50 = arith.constant 0 : index
      %swap3A_51 = vector.load %arg21[%swap3A_48, %swap3A_49, %swap3A_50] : memref<2x256x512xf32, #tpu.memory_space<vmem>>, vector<1x256x512xf32>
      %swap3A_52 = vector.shape_cast %swap3A_51 : vector<1x256x512xf32> to vector<256x512xf32>
      %swap3A_53 = vector.shape_cast %broadcast_in_dim3A_47 : vector<256x512xf32> to vector<1x256x512xf32>
      tpu.vector_store %arg21[%swap3A_48, %swap3A_49, %swap3A_50], %swap3A_53 {strides = array<i32>} : memref<2x256x512xf32, #tpu.memory_space<vmem>>, vector<1x256x512xf32>,
    } else {
    }
    %dma_start3A = tpu.memref_slice %arg22[%rem3A_4] : memref<2x!tpu.dma_semaphore, #tpu.memory_space<semaphore_mem>> -> memref<1x!tpu.dma_semaphore, #tpu.memory_space<semaphore_mem>>
    %dma_start3A_18 = tpu.memref_squeeze %dma_start3A : memref<1x!tpu.dma_semaphore, #tpu.memory_space<semaphore_mem>> -> memref<!tpu.dma_semaphore, #tpu.memory_space<semaphore_mem>>
    %dma_start3A_19 = arith.constant 0 : i32
    %dma_start3A_20 = tpu.memref_slice %arg16[%mul3A_0, %arg1, %dma_start3A_19] : memref<1024x20x512xf32, #tpu.memory_space<any>> -> memref<256x1x512xf32, #tpu.memory_space<any>>
    %dma_start3A_21 = tpu.memref_squeeze %dma_start3A_20 : memref<256x1x512xf32, #tpu.memory_space<any>> -> memref<256x512xf32, #tpu.memory_space<any>>
    %dma_start3A_22 = arith.constant 0 : i32
    %dma_start3A_23 = arith.constant 0 : i32
    %dma_start3A_24 = tpu.memref_slice %arg20[%rem3A_4, %dma_start3A_22, %dma_start3A_23] : memref<2x256x512xf32, #tpu.memory_space<vmem>> -> memref<1x256x512xf32, #tpu.memory_space<vmem>>
    %dma_start3A_25 = tpu.memref_squeeze %dma_start3A_24 : memref<1x256x512xf32, #tpu.memory_space<vmem>> -> memref<256x512xf32, #tpu.memory_space<vmem>>
    tpu.enqueue_dma source(%dma_start3A_25 : memref<256x512xf32, #tpu.memory_space<vmem>>) target(%dma_start3A_21 : memref<256x512xf32, #tpu.memory_space<any>>) target_semaphore(%dma_start3A_18 : memref<!tpu.dma_semaphore, #tpu.memory_space<semaphore_mem>>)
    %dma_start3A_26 = tpu.memref_slice %arg22[%rem3A_4] : memref<2x!tpu.dma_semaphore, #tpu.memory_space<semaphore_mem>> -> memref<1x!tpu.dma_semaphore, #tpu.memory_space<semaphore_mem>>
    %dma_start3A_27 = tpu.memref_squeeze %dma_start3A_26 : memref<1x!tpu.dma_semaphore, #tpu.memory_space<semaphore_mem>> -> memref<!tpu.dma_semaphore, #tpu.memory_space<semaphore_mem>>
    %dma_start3A_28 = arith.constant 0 : i32
    %dma_start3A_29 = tpu.memref_slice %arg17[%mul3A_0, %arg1, %dma_start3A_28] : memref<1024x20x512xf32, #tpu.memory_space<any>> -> memref<256x1x512xf32, #tpu.memory_space<any>>
    %dma_start3A_30 = tpu.memref_squeeze %dma_start3A_29 : memref<256x1x512xf32, #tpu.memory_space<any>> -> memref<256x512xf32, #tpu.memory_space<any>>
    %dma_start3A_31 = arith.constant 0 : i32
    %dma_start3A_32 = arith.constant 0 : i32
    %dma_start3A_33 = tpu.memref_slice %arg21[%rem3A_4, %dma_start3A_31, %dma_start3A_32] : memref<2x256x512xf32, #tpu.memory_space<vmem>> -> memref<1x256x512xf32, #tpu.memory_space<vmem>>
    %dma_start3A_34 = tpu.memref_squeeze %dma_start3A_33 : memref<1x256x512xf32, #tpu.memory_space<vmem>> -> memref<256x512xf32, #tpu.memory_space<vmem>>
    tpu.enqueue_dma source(%dma_start3A_34 : memref<256x512xf32, #tpu.memory_space<vmem>>) target(%dma_start3A_30 : memref<256x512xf32, #tpu.memory_space<any>>) target_semaphore(%dma_start3A_27 : memref<!tpu.dma_semaphore, #tpu.memory_space<semaphore_mem>>)
    %eq3A_35 = arith.constant 79 : i32
    %eq3A_36 = arith.cmpi eq, %add3A, %eq3A_35 : i32
    %convert_element_type3A_37 = arith.extui %eq3A_36 : i1 to i32
    %cond3A_38 = arith.constant 0 : i32
    %cond3A_39 = arith.cmpi ne, %convert_element_type3A_37, %cond3A_38 : i32
    scf.if %cond3A_39 {
      %sub3A = arith.constant 1 : i32
      %sub3A_40 = arith.subi %sub3A, %rem3A_4 : i32
      %dma_wait3A = tpu.memref_slice %arg22[%rem3A_4] : memref<2x!tpu.dma_semaphore, #tpu.memory_space<semaphore_mem>> -> memref<1x!tpu.dma_semaphore, #tpu.memory_space<semaphore_mem>>
      %dma_wait3A_41 = tpu.memref_squeeze %dma_wait3A : memref<1x!tpu.dma_semaphore, #tpu.memory_space<semaphore_mem>> -> memref<!tpu.dma_semaphore, #tpu.memory_space<semaphore_mem>>
      %dma_wait3A_42 = arith.constant 0 : i32
      %dma_wait3A_43 = tpu.memref_slice %arg16[%mul3A_0, %arg1, %dma_wait3A_42] : memref<1024x20x512xf32, #tpu.memory_space<any>> -> memref<256x1x512xf32, #tpu.memory_space<any>>
      %dma_wait3A_44 = tpu.memref_squeeze %dma_wait3A_43 : memref<256x1x512xf32, #tpu.memory_space<any>> -> memref<256x512xf32, #tpu.memory_space<any>>
      %dma_wait3A_45 = arith.constant 0 : i32
      %dma_wait3A_46 = arith.constant 0 : i32
      %dma_wait3A_47 = tpu.memref_slice %arg20[%rem3A_4, %dma_wait3A_45, %dma_wait3A_46] : memref<2x256x512xf32, #tpu.memory_space<vmem>> -> memref<1x256x512xf32, #tpu.memory_space<vmem>>
      %dma_wait3A_48 = tpu.memref_squeeze %dma_wait3A_47 : memref<1x256x512xf32, #tpu.memory_space<vmem>> -> memref<256x512xf32, #tpu.memory_space<vmem>>
      tpu.wait_dma2 semaphore(%dma_wait3A_41 : memref<!tpu.dma_semaphore, #tpu.memory_space<semaphore_mem>>) src(%dma_wait3A_48 : memref<256x512xf32, #tpu.memory_space<vmem>>) dst(%dma_wait3A_44 : memref<256x512xf32, #tpu.memory_space<any>>)
      %dma_wait3A_49 = tpu.memref_slice %arg22[%rem3A_4] : memref<2x!tpu.dma_semaphore, #tpu.memory_space<semaphore_mem>> -> memref<1x!tpu.dma_semaphore, #tpu.memory_space<semaphore_mem>>
      %dma_wait3A_50 = tpu.memref_squeeze %dma_wait3A_49 : memref<1x!tpu.dma_semaphore, #tpu.memory_space<semaphore_mem>> -> memref<!tpu.dma_semaphore, #tpu.memory_space<semaphore_mem>>
      %dma_wait3A_51 = arith.constant 0 : i32
      %dma_wait3A_52 = tpu.memref_slice %arg17[%mul3A_0, %arg1, %dma_wait3A_51] : memref<1024x20x512xf32, #tpu.memory_space<any>> -> memref<256x1x512xf32, #tpu.memory_space<any>>
      %dma_wait3A_53 = tpu.memref_squeeze %dma_wait3A_52 : memref<256x1x512xf32, #tpu.memory_space<any>> -> memref<256x512xf32, #tpu.memory_space<any>>
      %dma_wait3A_54 = arith.constant 0 : i32
      %dma_wait3A_55 = arith.constant 0 : i32
      %dma_wait3A_56 = tpu.memref_slice %arg21[%rem3A_4, %dma_wait3A_54, %dma_wait3A_55] : memref<2x256x512xf32, #tpu.memory_space<vmem>> -> memref<1x256x512xf32, #tpu.memory_space<vmem>>
      %dma_wait3A_57 = tpu.memref_squeeze %dma_wait3A_56 : memref<1x256x512xf32, #tpu.memory_space<vmem>> -> memref<256x512xf32, #tpu.memory_space<vmem>>
      tpu.wait_dma2 semaphore(%dma_wait3A_50 : memref<!tpu.dma_semaphore, #tpu.memory_space<semaphore_mem>>) src(%dma_wait3A_57 : memref<256x512xf32, #tpu.memory_space<vmem>>) dst(%dma_wait3A_53 : memref<256x512xf32, #tpu.memory_space<any>>)
      %dma_wait3A_58 = tpu.memref_slice %arg22[%sub3A_40] : memref<2x!tpu.dma_semaphore, #tpu.memory_space<semaphore_mem>> -> memref<1x!tpu.dma_semaphore, #tpu.memory_space<semaphore_mem>>
      %dma_wait3A_59 = tpu.memref_squeeze %dma_wait3A_58 : memref<1x!tpu.dma_semaphore, #tpu.memory_space<semaphore_mem>> -> memref<!tpu.dma_semaphore, #tpu.memory_space<semaphore_mem>>
      %dma_wait3A_60 = arith.constant 0 : i32
      %dma_wait3A_61 = tpu.memref_slice %arg16[%mul3A_0, %arg1, %dma_wait3A_60] : memref<1024x20x512xf32, #tpu.memory_space<any>> -> memref<256x1x512xf32, #tpu.memory_space<any>>
      %dma_wait3A_62 = tpu.memref_squeeze %dma_wait3A_61 : memref<256x1x512xf32, #tpu.memory_space<any>> -> memref<256x512xf32, #tpu.memory_space<any>>
      %dma_wait3A_63 = arith.constant 0 : i32
      %dma_wait3A_64 = arith.constant 0 : i32
      %dma_wait3A_65 = tpu.memref_slice %arg20[%sub3A_40, %dma_wait3A_63, %dma_wait3A_64] : memref<2x256x512xf32, #tpu.memory_space<vmem>> -> memref<1x256x512xf32, #tpu.memory_space<vmem>>
      %dma_wait3A_66 = tpu.memref_squeeze %dma_wait3A_65 : memref<1x256x512xf32, #tpu.memory_space<vmem>> -> memref<256x512xf32, #tpu.memory_space<vmem>>
      tpu.wait_dma2 semaphore(%dma_wait3A_59 : memref<!tpu.dma_semaphore, #tpu.memory_space<semaphore_mem>>) src(%dma_wait3A_66 : memref<256x512xf32, #tpu.memory_space<vmem>>) dst(%dma_wait3A_62 : memref<256x512xf32, #tpu.memory_space<any>>)
      %dma_wait3A_67 = tpu.memref_slice %arg22[%sub3A_40] : memref<2x!tpu.dma_semaphore, #tpu.memory_space<semaphore_mem>> -> memref<1x!tpu.dma_semaphore, #tpu.memory_space<semaphore_mem>>
      %dma_wait3A_68 = tpu.memref_squeeze %dma_wait3A_67 : memref<1x!tpu.dma_semaphore, #tpu.memory_space<semaphore_mem>> -> memref<!tpu.dma_semaphore, #tpu.memory_space<semaphore_mem>>
      %dma_wait3A_69 = arith.constant 0 : i32
      %dma_wait3A_70 = tpu.memref_slice %arg17[%mul3A_0, %arg1, %dma_wait3A_69] : memref<1024x20x512xf32, #tpu.memory_space<any>> -> memref<256x1x512xf32, #tpu.memory_space<any>>
      %dma_wait3A_71 = tpu.memref_squeeze %dma_wait3A_70 : memref<256x1x512xf32, #tpu.memory_space<any>> -> memref<256x512xf32, #tpu.memory_space<any>>
      %dma_wait3A_72 = arith.constant 0 : i32
      %dma_wait3A_73 = arith.constant 0 : i32
      %dma_wait3A_74 = tpu.memref_slice %arg21[%sub3A_40, %dma_wait3A_72, %dma_wait3A_73] : memref<2x256x512xf32, #tpu.memory_space<vmem>> -> memref<1x256x512xf32, #tpu.memory_space<vmem>>
      %dma_wait3A_75 = tpu.memref_squeeze %dma_wait3A_74 : memref<1x256x512xf32, #tpu.memory_space<vmem>> -> memref<256x512xf32, #tpu.memory_space<vmem>>
      tpu.wait_dma2 semaphore(%dma_wait3A_68 : memref<!tpu.dma_semaphore, #tpu.memory_space<semaphore_mem>>) src(%dma_wait3A_75 : memref<256x512xf32, #tpu.memory_space<vmem>>) dst(%dma_wait3A_71 : memref<256x512xf32, #tpu.memory_space<any>>)
    } else {
    }
    return
  }
  func.func @transform_0(%arg0: i32, %arg1: i32, %arg2: memref<20xi32, #tpu.memory_space<smem>>) -> (i32, i32) {
    %mul3A = arith.constant 4 : i32
    %mul3A_0 = arith.muli %arg1, %mul3A : i32
    %add3A = arith.addi %mul3A_0, %arg0 : i32
    %c0_i32 = arith.constant 0 : i32
    %c0_i32_1 = arith.constant 0 : i32
    return %add3A, %c0_i32 : i32, i32
  }
  func.func @transform_1(%arg0: i32, %arg1: i32, %arg2: memref<20xi32, #tpu.memory_space<smem>>) -> (i32, i32) {
    %c0_i32 = arith.constant 0 : i32
    %c0_i32_0 = arith.constant 0 : i32
    return %arg0, %c0_i32 : i32, i32
  }
  func.func @transform_2(%arg0: i32, %arg1: i32, %arg2: memref<20xi32, #tpu.memory_space<smem>>) -> (i32, i32) {
    %c0_i32 = arith.constant 0 : i32
    %c0_i32_0 = arith.constant 0 : i32
    %c0_i32_1 = arith.constant 0 : i32
    return %c0_i32, %c0_i32_0 : i32, i32
  }
  func.func @transform_3(%arg0: i32, %arg1: i32, %arg2: memref<20xi32, #tpu.memory_space<smem>>) -> (i32, i32) {
    %c0_i32 = arith.constant 0 : i32
    %c0_i32_0 = arith.constant 0 : i32
    %c0_i32_1 = arith.constant 0 : i32
    return %c0_i32, %c0_i32_0 : i32, i32
  }
  func.func @transform_4(%arg0: i32, %arg1: i32, %arg2: memref<20xi32, #tpu.memory_space<smem>>) -> (i32, i32) {
    %c0_i32 = arith.constant 0 : i32
    %c0_i32_0 = arith.constant 0 : i32
    %c0_i32_1 = arith.constant 0 : i32
    return %c0_i32, %c0_i32_0 : i32, i32
  }
  func.func @transform_5(%arg0: i32, %arg1: i32, %arg2: memref<20xi32, #tpu.memory_space<smem>>) -> (i32, i32) {
    %c0_i32 = arith.constant 0 : i32
    %c0_i32_0 = arith.constant 0 : i32
    %c0_i32_1 = arith.constant 0 : i32
    return %c0_i32, %c0_i32_0 : i32, i32
  }
  func.func @transform_6(%arg0: i32, %arg1: i32, %arg2: memref<20xi32, #tpu.memory_space<smem>>) -> (i32, i32) {
    %c0_i32 = arith.constant 0 : i32
    %c0_i32_0 = arith.constant 0 : i32
    %c0_i32_1 = arith.constant 0 : i32
    return %c0_i32, %c0_i32_0 : i32, i32
  }
  func.func @transform_7(%arg0: i32, %arg1: i32, %arg2: memref<20xi32, #tpu.memory_space<smem>>) -> (i32, i32) {
    %c0_i32 = arith.constant 0 : i32
    %c0_i32_0 = arith.constant 0 : i32
    %c0_i32_1 = arith.constant 0 : i32
    return %c0_i32, %c0_i32_0 : i32, i32
  }
  func.func @transform_8(%arg0: i32, %arg1: i32, %arg2: memref<20xi32, #tpu.memory_space<smem>>) -> (i32, i32) {
    %c0_i32 = arith.constant 0 : i32
    %c0_i32_0 = arith.constant 0 : i32
    %c0_i32_1 = arith.constant 0 : i32
    return %c0_i32, %c0_i32_0 : i32, i32
  }
  func.func @transform_9(%arg0: i32, %arg1: i32, %arg2: memref<20xi32, #tpu.memory_space<smem>>) -> (i32, i32) {
    %c0_i32 = arith.constant 0 : i32
    %c0_i32_0 = arith.constant 0 : i32
    %c0_i32_1 = arith.constant 0 : i32
    return %c0_i32, %c0_i32_0 : i32, i32
  }
  func.func @transform_10(%arg0: i32, %arg1: i32, %arg2: memref<20xi32, #tpu.memory_space<smem>>) -> (i32, i32) {
    %c0_i32 = arith.constant 0 : i32
    %c0_i32_0 = arith.constant 0 : i32
    %c0_i32_1 = arith.constant 0 : i32
    return %c0_i32, %c0_i32_0 : i32, i32
  }
  func.func @transform_11(%arg0: i32, %arg1: i32, %arg2: memref<20xi32, #tpu.memory_space<smem>>) -> (i32, i32) {
    %c0_i32 = arith.constant 0 : i32
    %c0_i32_0 = arith.constant 0 : i32
    %c0_i32_1 = arith.constant 0 : i32
    return %c0_i32, %c0_i32_0 : i32, i32
  }
  func.func @transform_12(%arg0: i32, %arg1: i32, %arg2: memref<20xi32, #tpu.memory_space<smem>>) -> (i32, i32) {
    %c0_i32 = arith.constant 0 : i32
    %c0_i32_0 = arith.constant 0 : i32
    %c0_i32_1 = arith.constant 0 : i32
    return %c0_i32, %c0_i32_0 : i32, i32
  }
}

module attributes {stable_mosaic.version = 14 : i64} {
  func.func @_prep_proj_kernel(%arg0: i32, %arg1: memref<256x2048xf32, #tpu.memory_space<vmem>>, %arg2: memref<256x512xf32, #tpu.memory_space<vmem>>, %arg3: memref<1024x1xi32, #tpu.memory_space<vmem>>, %arg4: memref<1x1xf32, #tpu.memory_space<vmem>>, %arg5: memref<2048x512xbf16, #tpu.memory_space<vmem>>, %arg6: memref<512x512xbf16, #tpu.memory_space<vmem>>, %arg7: memref<1x512xf32, #tpu.memory_space<vmem>>, %arg8: memref<1x512xf32, #tpu.memory_space<vmem>>, %arg9: memref<1x512xf32, #tpu.memory_space<vmem>>, %arg10: memref<512x512xf32, #tpu.memory_space<vmem>>, %arg11: memref<256x512xf32, #tpu.memory_space<vmem>>, %arg12: memref<512x512xbf16, #tpu.memory_space<vmem>>, %arg13: memref<1024x80xi32, #tpu.memory_space<vmem>>, %arg14: memref<1x32xi32, #tpu.memory_space<vmem>>) attributes {dimension_semantics = [#tpu.dimension_semantics<arbitrary>], iteration_bounds = array<i64: 4>, scalar_prefetch = 0 : i64, scratch_operands = 0 : i64, tpu.core_type = #tpu.core_type<tc>, window_params = [{transform_indices = @transform_0, window_bounds = array<i64: 256, 2048>}, {transform_indices = @transform_1, window_bounds = array<i64: 256, 512>}, {pipeline_mode = #tpu.pipeline_mode<synchronous>, transform_indices = @transform_2, window_bounds = array<i64: 1024, 1>}, {pipeline_mode = #tpu.pipeline_mode<synchronous>, transform_indices = @transform_3, window_bounds = array<i64: 1, 1>}, {pipeline_mode = #tpu.pipeline_mode<synchronous>, transform_indices = @transform_4, window_bounds = array<i64: 2048, 512>}, {pipeline_mode = #tpu.pipeline_mode<synchronous>, transform_indices = @transform_5, window_bounds = array<i64: 512, 512>}, {pipeline_mode = #tpu.pipeline_mode<synchronous>, transform_indices = @transform_6, window_bounds = array<i64: 1, 512>}, {pipeline_mode = #tpu.pipeline_mode<synchronous>, transform_indices = @transform_7, window_bounds = array<i64: 1, 512>}, {pipeline_mode = #tpu.pipeline_mode<synchronous>, transform_indices = @transform_8, window_bounds = array<i64: 1, 512>}, {pipeline_mode = #tpu.pipeline_mode<synchronous>, transform_indices = @transform_9, window_bounds = array<i64: 512, 512>}, {transform_indices = @transform_10, window_bounds = array<i64: 256, 512>}, {pipeline_mode = #tpu.pipeline_mode<synchronous>, transform_indices = @transform_11, window_bounds = array<i64: 512, 512>}, {pipeline_mode = #tpu.pipeline_mode<synchronous>, transform_indices = @transform_12, window_bounds = array<i64: 1024, 80>}, {pipeline_mode = #tpu.pipeline_mode<synchronous>, transform_indices = @transform_13, window_bounds = array<i64: 1, 32>}]} {
    %get3A = arith.constant 0 : index
    %get3A_0 = arith.constant 0 : index
    %get3A_1 = vector.load %arg1[%get3A, %get3A_0] : memref<256x2048xf32, #tpu.memory_space<vmem>>, vector<256x2048xf32>
    %convert_element_type3A = arith.truncf %get3A_1 : vector<256x2048xf32> to vector<256x2048xbf16>
    %get3A_2 = arith.constant 0 : index
    %get3A_3 = arith.constant 0 : index
    %get3A_4 = vector.load %arg5[%get3A_2, %get3A_3] : memref<2048x512xbf16, #tpu.memory_space<vmem>>, vector<2048x512xbf16>
    %dot_general3A = arith.constant dense<0.000000e+00> : vector<256x512xf32>
    %dot_general3A_5 = tpu.matmul %convert_element_type3A, %get3A_4, %dot_general3A {dimension_numbers = #tpu.dot_dimension_numbers<[1], [0], [0], [1], [0, 0, 1, 1], [], []>, transpose_lhs_hint = false} : vector<256x2048xbf16>, vector<2048x512xbf16>, vector<256x512xf32> -> vector<256x512xf32>
    %get3A_6 = arith.constant 0 : index
    %get3A_7 = arith.constant 0 : index
    %get3A_8 = vector.load %arg2[%get3A_6, %get3A_7] : memref<256x512xf32, #tpu.memory_space<vmem>>, vector<256x512xf32>
    %convert_element_type3A_9 = arith.truncf %get3A_8 : vector<256x512xf32> to vector<256x512xbf16>
    %get3A_10 = arith.constant 0 : index
    %get3A_11 = arith.constant 0 : index
    %get3A_12 = vector.load %arg6[%get3A_10, %get3A_11] : memref<512x512xbf16, #tpu.memory_space<vmem>>, vector<512x512xbf16>
    %dot_general3A_13 = arith.constant dense<0.000000e+00> : vector<256x512xf32>
    %dot_general3A_14 = tpu.matmul %convert_element_type3A_9, %get3A_12, %dot_general3A_13 {dimension_numbers = #tpu.dot_dimension_numbers<[1], [0], [0], [1], [0, 0, 1, 1], [], []>, transpose_lhs_hint = false} : vector<256x512xbf16>, vector<512x512xbf16>, vector<256x512xf32> -> vector<256x512xf32>
    %add3A = arith.addf %dot_general3A_5, %dot_general3A_14 : vector<256x512xf32>
    %get3A_15 = arith.constant 0 : index
    %get3A_16 = arith.constant 0 : index
    %get3A_17 = vector.load %arg7[%get3A_15, %get3A_16] : memref<1x512xf32, #tpu.memory_space<vmem>>, vector<1x512xf32>
    %add3A_18 = vector.broadcast %get3A_17 : vector<1x512xf32> to vector<256x512xf32>
    %add3A_19 = arith.addf %add3A, %add3A_18 : vector<256x512xf32>
    %get3A_20 = arith.constant 0 : index
    %get3A_21 = arith.constant 0 : index
    %get3A_22 = vector.load %arg8[%get3A_20, %get3A_21] : memref<1x512xf32, #tpu.memory_space<vmem>>, vector<1x512xf32>
    %add3A_23 = vector.broadcast %get3A_22 : vector<1x512xf32> to vector<256x512xf32>
    %add3A_24 = arith.addf %add3A_19, %add3A_23 : vector<256x512xf32>
    %get3A_25 = arith.constant 0 : index
    %get3A_26 = arith.constant 0 : index
    %get3A_27 = vector.load %arg9[%get3A_25, %get3A_26] : memref<1x512xf32, #tpu.memory_space<vmem>>, vector<1x512xf32>
    %add3A_28 = vector.broadcast %get3A_27 : vector<1x512xf32> to vector<256x512xf32>
    %add3A_29 = arith.addf %add3A_24, %add3A_28 : vector<256x512xf32>
    %swap3A = arith.constant 0 : index
    %swap3A_30 = arith.constant 0 : index
    %swap3A_31 = vector.load %arg11[%swap3A, %swap3A_30] : memref<256x512xf32, #tpu.memory_space<vmem>>, vector<256x512xf32>
    tpu.vector_store %arg11[%swap3A, %swap3A_30], %add3A_29 {strides = array<i32>} : memref<256x512xf32, #tpu.memory_space<vmem>>, vector<256x512xf32>,
    %eq3A = arith.constant 0 : i32
    %eq3A_32 = arith.cmpi eq, %arg0, %eq3A : i32
    %convert_element_type3A_33 = arith.extui %eq3A_32 : i1 to i32
    %cond3A = arith.constant 0 : i32
    %cond3A_34 = arith.cmpi ne, %convert_element_type3A_33, %cond3A : i32
    scf.if %cond3A_34 {
      %get3A_35 = arith.constant 0 : index
      %get3A_36 = arith.constant 0 : index
      %get3A_37 = vector.load %arg10[%get3A_35, %get3A_36] : memref<512x512xf32, #tpu.memory_space<vmem>>, vector<512x512xf32>
      %mul3A = arith.mulf %get3A_37, %get3A_37 : vector<512x512xf32>
      %reduce_sum3A = vector.shape_cast %mul3A : vector<512x512xf32> to vector<1x512x512xf32>
      %reduce_sum3A_38 = arith.constant dense<0.000000e+00> : vector<1xf32>
      %reduce_sum3A_39 = vector.multi_reduction <add>, %reduce_sum3A, %reduce_sum3A_38 [1, 2] : vector<1x512x512xf32> to vector<1xf32>
      %reduce_sum3A_40 = vector.shape_cast %reduce_sum3A_39 : vector<1xf32> to vector<1x1x1xf32>
      %reduce_sum3A_41 = vector.extract %reduce_sum3A_40[0, 0, 0] : f32 from vector<1x1x1xf32>
      %rsqrt3A = math.rsqrt %reduce_sum3A_41 : f32
      %get3A_42 = arith.constant 0 : index
      %get3A_43 = arith.constant 0 : index
      %get3A_44 = vector.load %arg4[%get3A_42, %get3A_43] : memref<1x1xf32, #tpu.memory_space<vmem>>, vector<1x1xf32>
      %mul3A_45 = vector.broadcast %rsqrt3A : f32 to vector<1x1xf32>
      %mul3A_46 = arith.mulf %mul3A_45, %get3A_44 : vector<1x1xf32>
      %mul3A_47 = vector.broadcast %mul3A_46 : vector<1x1xf32> to vector<512x512xf32>
      %mul3A_48 = arith.mulf %get3A_37, %mul3A_47 : vector<512x512xf32>
      %convert_element_type3A_49 = arith.truncf %mul3A_48 : vector<512x512xf32> to vector<512x512xbf16>
      %swap3A_50 = arith.constant 0 : index
      %swap3A_51 = arith.constant 0 : index
      %swap3A_52 = vector.load %arg12[%swap3A_50, %swap3A_51] : memref<512x512xbf16, #tpu.memory_space<vmem>>, vector<512x512xbf16>
      tpu.vector_store %arg12[%swap3A_50, %swap3A_51], %convert_element_type3A_49 {strides = array<i32>} : memref<512x512xbf16, #tpu.memory_space<vmem>>, vector<512x512xbf16>,
      %get3A_53 = arith.constant 0 : index
      %get3A_54 = arith.constant 0 : index
      %get3A_55 = vector.load %arg3[%get3A_53, %get3A_54] : memref<1024x1xi32, #tpu.memory_space<vmem>>, vector<1024x1xi32>
      %iota3A = tpu.iota {dimensions = array<i32: 1>} : vector<1024x32xi32>
      %eq3A_56 = vector.broadcast %get3A_55 : vector<1024x1xi32> to vector<1024x32xi32>
      %eq3A_57 = arith.cmpi eq, %eq3A_56, %iota3A : vector<1024x32xi32>
      %convert_element_type3A_58 = arith.extui %eq3A_57 : vector<1024x32xi1> to vector<1024x32xi32>
      %convert_element_type3A_59 = arith.sitofp %convert_element_type3A_58 : vector<1024x32xi32> to vector<1024x32xf32>
      %iota3A_60 = tpu.iota {dimensions = array<i32: 0>} : vector<1024x1024xi32>
      %iota3A_61 = tpu.iota {dimensions = array<i32: 1>} : vector<1024x1024xi32>
      %le3A = arith.cmpi sle, %iota3A_61, %iota3A_60 : vector<1024x1024xi32>
      %convert_element_type3A_62 = arith.extui %le3A : vector<1024x1024xi1> to vector<1024x1024xi32>
      %convert_element_type3A_63 = arith.sitofp %convert_element_type3A_62 : vector<1024x1024xi32> to vector<1024x1024xf32>
      %dot_general3A_64 = arith.constant dense<0.000000e+00> : vector<1024x32xf32>
      %dot_general3A_65 = tpu.matmul %convert_element_type3A_63, %convert_element_type3A_59, %dot_general3A_64 {dimension_numbers = #tpu.dot_dimension_numbers<[1], [0], [0], [1], [0, 0, 1, 1], [], []>, transpose_lhs_hint = false} : vector<1024x1024xf32>, vector<1024x32xf32>, vector<1024x32xf32> -> vector<1024x32xf32>
      %slice3A = vector.extract_strided_slice %dot_general3A_65 {offsets = [1023, 0], sizes = [1, 32], strides = [1, 1]} : vector<1024x32xf32> to vector<1x32xf32>
      %iota3A_66 = tpu.iota {dimensions = array<i32: 0>} : vector<32x32xi32>
      %iota3A_67 = tpu.iota {dimensions = array<i32: 1>} : vector<32x32xi32>
      %gt3A = arith.cmpi sgt, %iota3A_66, %iota3A_67 : vector<32x32xi32>
      %convert_element_type3A_68 = arith.extui %gt3A : vector<32x32xi1> to vector<32x32xi32>
      %convert_element_type3A_69 = arith.sitofp %convert_element_type3A_68 : vector<32x32xi32> to vector<32x32xf32>
      %dot_general3A_70 = arith.constant dense<0.000000e+00> : vector<1x32xf32>
      %dot_general3A_71 = tpu.matmul %slice3A, %convert_element_type3A_69, %dot_general3A_70 {dimension_numbers = #tpu.dot_dimension_numbers<[1], [0], [0], [1], [0, 0, 1, 1], [], []>, transpose_lhs_hint = false} : vector<1x32xf32>, vector<32x32xf32>, vector<1x32xf32> -> vector<1x32xf32>
      %add3A_72 = vector.broadcast %dot_general3A_71 : vector<1x32xf32> to vector<1024x32xf32>
      %add3A_73 = arith.addf %add3A_72, %dot_general3A_65 : vector<1024x32xf32>
      %mul3A_74 = arith.mulf %convert_element_type3A_59, %add3A_73 : vector<1024x32xf32>
      %reduce_sum3A_75 = arith.constant dense<0.000000e+00> : vector<1024xf32>
      %reduce_sum3A_76 = vector.multi_reduction <add>, %mul3A_74, %reduce_sum3A_75 [1] : vector<1024x32xf32> to vector<1024xf32>
      %broadcast_in_dim3A = vector.shape_cast %reduce_sum3A_76 : vector<1024xf32> to vector<1024x1xf32>
      %sub3A = arith.constant 1.000000e+00 : f32
      %sub3A_77 = vector.broadcast %sub3A : f32 to vector<1024x1xf32>
      %sub3A_78 = arith.subf %broadcast_in_dim3A, %sub3A_77 : vector<1024x1xf32>
      %convert_element_type3A_79 = arith.fptosi %dot_general3A_71 : vector<1x32xf32> to vector<1x32xi32>
      %swap3A_80 = arith.constant 0 : index
      %swap3A_81 = arith.constant 0 : index
      %swap3A_82 = vector.load %arg14[%swap3A_80, %swap3A_81] : memref<1x32xi32, #tpu.memory_space<vmem>>, vector<1x32xi32>
      tpu.vector_store %arg14[%swap3A_80, %swap3A_81], %convert_element_type3A_79 {strides = array<i32>} : memref<1x32xi32, #tpu.memory_space<vmem>>, vector<1x32xi32>,
      %iota3A_83 = tpu.iota {dimensions = array<i32: 1>} : vector<1024x80xi32>
      %convert_element_type3A_84 = arith.fptosi %sub3A_78 : vector<1024x1xf32> to vector<1024x1xi32>
      %shift_right_arithmetic3A = arith.constant 2 : i32
      %shift_right_arithmetic3A_85 = vector.broadcast %shift_right_arithmetic3A : i32 to vector<1024x80xi32>
      %shift_right_arithmetic3A_86 = arith.shrsi %iota3A_83, %shift_right_arithmetic3A_85 : vector<1024x80xi32>
      %mul3A_87 = arith.constant 4096 : i32
      %mul3A_88 = vector.broadcast %mul3A_87 : i32 to vector<1024x80xi32>
      %mul3A_89 = arith.muli %shift_right_arithmetic3A_86, %mul3A_88 : vector<1024x80xi32>
      %jit3A = arith.constant 256 : i32
      %div3A = vector.broadcast %jit3A : i32 to vector<1024x1xi32>
      %div3A_90 = arith.divsi %convert_element_type3A_84, %div3A : vector<1024x1xi32>
      %sign3A = arith.constant 0 : i32
      %sign3A_91 = vector.broadcast %sign3A : i32 to vector<1024x1xi32>
      %sign3A_92 = arith.cmpi sgt, %convert_element_type3A_84, %sign3A_91 : vector<1024x1xi32>
      %sign3A_93 = arith.extui %sign3A_92 : vector<1024x1xi1> to vector<1024x1xi32>
      %sign3A_94 = arith.constant 0 : i32
      %sign3A_95 = vector.broadcast %sign3A_94 : i32 to vector<1024x1xi32>
      %sign3A_96 = arith.cmpi slt, %convert_element_type3A_84, %sign3A_95 : vector<1024x1xi32>
      %sign3A_97 = arith.extui %sign3A_96 : vector<1024x1xi1> to vector<1024x1xi32>
      %sign3A_98 = arith.subi %sign3A_93, %sign3A_97 : vector<1024x1xi32>
      %sign3A_99 = arith.constant 0 : i32
      %sign3A_100 = arith.cmpi sgt, %jit3A, %sign3A_99 : i32
      %sign3A_101 = arith.extui %sign3A_100 : i1 to i32
      %sign3A_102 = arith.constant 0 : i32
      %sign3A_103 = arith.cmpi slt, %jit3A, %sign3A_102 : i32
      %sign3A_104 = arith.extui %sign3A_103 : i1 to i32
      %sign3A_105 = arith.subi %sign3A_101, %sign3A_104 : i32
      %ne3A = vector.broadcast %sign3A_105 : i32 to vector<1024x1xi32>
      %ne3A_106 = arith.cmpi ne, %sign3A_98, %ne3A : vector<1024x1xi32>
      %rem3A = vector.broadcast %jit3A : i32 to vector<1024x1xi32>
      %rem3A_107 = arith.remsi %convert_element_type3A_84, %rem3A : vector<1024x1xi32>
      %ne3A_108 = arith.constant 0 : i32
      %ne3A_109 = vector.broadcast %ne3A_108 : i32 to vector<1024x1xi32>
      %ne3A_110 = arith.cmpi ne, %rem3A_107, %ne3A_109 : vector<1024x1xi32>
      %and3A = arith.andi %ne3A_106, %ne3A_110 : vector<1024x1xi1>
      %sub3A_111 = arith.constant 1 : i32
      %sub3A_112 = vector.broadcast %sub3A_111 : i32 to vector<1024x1xi32>
      %sub3A_113 = arith.subi %div3A_90, %sub3A_112 : vector<1024x1xi32>
      %select_n3A = arith.select %and3A, %sub3A_113, %div3A_90 : vector<1024x1xi1>, vector<1024x1xi32>
      %mul3A_114 = arith.constant 1024 : i32
      %mul3A_115 = vector.broadcast %mul3A_114 : i32 to vector<1024x1xi32>
      %mul3A_116 = arith.muli %select_n3A, %mul3A_115 : vector<1024x1xi32>
      %add3A_117 = vector.broadcast %mul3A_116 : vector<1024x1xi32> to vector<1024x80xi32>
      %add3A_118 = arith.addi %mul3A_89, %add3A_117 : vector<1024x80xi32>
      %and3A_119 = arith.constant 3 : i32
      %and3A_120 = vector.broadcast %and3A_119 : i32 to vector<1024x80xi32>
      %and3A_121 = arith.andi %iota3A_83, %and3A_120 : vector<1024x80xi32>
      %mul3A_122 = arith.constant 256 : i32
      %mul3A_123 = vector.broadcast %mul3A_122 : i32 to vector<1024x80xi32>
      %mul3A_124 = arith.muli %and3A_121, %mul3A_123 : vector<1024x80xi32>
      %add3A_125 = arith.addi %add3A_118, %mul3A_124 : vector<1024x80xi32>
      %jit3A_126 = arith.constant 256 : i32
      %eq3A_127 = arith.constant 0 : i32
      %eq3A_128 = arith.cmpi eq, %jit3A_126, %eq3A_127 : i32
      %jit3A_129 = arith.constant 1 : i32
      %select_n3A_130 = arith.select %eq3A_128, %jit3A_129, %jit3A_126 : i32
      %rem3A_131 = vector.broadcast %select_n3A_130 : i32 to vector<1024x1xi32>
      %rem3A_132 = arith.remsi %convert_element_type3A_84, %rem3A_131 : vector<1024x1xi32>
      %ne3A_133 = arith.constant 0 : i32
      %ne3A_134 = vector.broadcast %ne3A_133 : i32 to vector<1024x1xi32>
      %ne3A_135 = arith.cmpi ne, %rem3A_132, %ne3A_134 : vector<1024x1xi32>
      %lt3A = arith.constant 0 : i32
      %lt3A_136 = vector.broadcast %lt3A : i32 to vector<1024x1xi32>
      %lt3A_137 = arith.cmpi slt, %rem3A_132, %lt3A_136 : vector<1024x1xi32>
      %lt3A_138 = arith.constant 0 : i32
      %lt3A_139 = arith.cmpi slt, %select_n3A_130, %lt3A_138 : i32
      %ne3A_140 = vector.broadcast %lt3A_139 : i1 to vector<1024x1xi1>
      %ne3A_141 = vector.broadcast %ne3A_140 : vector<1024x1xi1> to vector<1024x1xi1>
      %ne3A_142 = arith.xori %lt3A_137, %ne3A_141 : vector<1024x1xi1>
      %and3A_143 = arith.andi %ne3A_142, %ne3A_135 : vector<1024x1xi1>
      %add3A_144 = vector.broadcast %select_n3A_130 : i32 to vector<1024x1xi32>
      %add3A_145 = arith.addi %rem3A_132, %add3A_144 : vector<1024x1xi32>
      %select_n3A_146 = arith.select %and3A_143, %add3A_145, %rem3A_132 : vector<1024x1xi1>, vector<1024x1xi32>
      %add3A_147 = vector.broadcast %select_n3A_146 : vector<1024x1xi32> to vector<1024x80xi32>
      %add3A_148 = arith.addi %add3A_125, %add3A_147 : vector<1024x80xi32>
      %swap3A_149 = arith.constant 0 : index
      %swap3A_150 = arith.constant 0 : index
      %swap3A_151 = vector.load %arg13[%swap3A_149, %swap3A_150] : memref<1024x80xi32, #tpu.memory_space<vmem>>, vector<1024x80xi32>
      tpu.vector_store %arg13[%swap3A_149, %swap3A_150], %add3A_148 {strides = array<i32>} : memref<1024x80xi32, #tpu.memory_space<vmem>>, vector<1024x80xi32>,
    } else {
    }
    return
  }
  func.func @transform_0(%arg0: i32) -> (i32, i32) {
    %c0_i32 = arith.constant 0 : i32
    %c0_i32_0 = arith.constant 0 : i32
    return %arg0, %c0_i32 : i32, i32
  }
  func.func @transform_1(%arg0: i32) -> (i32, i32) {
    %c0_i32 = arith.constant 0 : i32
    %c0_i32_0 = arith.constant 0 : i32
    return %arg0, %c0_i32 : i32, i32
  }
  func.func @transform_2(%arg0: i32) -> (i32, i32) {
    %c0_i32 = arith.constant 0 : i32
    %c0_i32_0 = arith.constant 0 : i32
    %c0_i32_1 = arith.constant 0 : i32
    return %c0_i32, %c0_i32_0 : i32, i32
  }
  func.func @transform_3(%arg0: i32) -> (i32, i32) {
    %c0_i32 = arith.constant 0 : i32
    %c0_i32_0 = arith.constant 0 : i32
    %c0_i32_1 = arith.constant 0 : i32
    return %c0_i32, %c0_i32_0 : i32, i32
  }
  func.func @transform_4(%arg0: i32) -> (i32, i32) {
    %c0_i32 = arith.constant 0 : i32
    %c0_i32_0 = arith.constant 0 : i32
    %c0_i32_1 = arith.constant 0 : i32
    return %c0_i32, %c0_i32_0 : i32, i32
  }
  func.func @transform_5(%arg0: i32) -> (i32, i32) {
    %c0_i32 = arith.constant 0 : i32
    %c0_i32_0 = arith.constant 0 : i32
    %c0_i32_1 = arith.constant 0 : i32
    return %c0_i32, %c0_i32_0 : i32, i32
  }
  func.func @transform_6(%arg0: i32) -> (i32, i32) {
    %c0_i32 = arith.constant 0 : i32
    %c0_i32_0 = arith.constant 0 : i32
    %c0_i32_1 = arith.constant 0 : i32
    return %c0_i32, %c0_i32_0 : i32, i32
  }
  func.func @transform_7(%arg0: i32) -> (i32, i32) {
    %c0_i32 = arith.constant 0 : i32
    %c0_i32_0 = arith.constant 0 : i32
    %c0_i32_1 = arith.constant 0 : i32
    return %c0_i32, %c0_i32_0 : i32, i32
  }
  func.func @transform_8(%arg0: i32) -> (i32, i32) {
    %c0_i32 = arith.constant 0 : i32
    %c0_i32_0 = arith.constant 0 : i32
    %c0_i32_1 = arith.constant 0 : i32
    return %c0_i32, %c0_i32_0 : i32, i32
  }
  func.func @transform_9(%arg0: i32) -> (i32, i32) {
    %c0_i32 = arith.constant 0 : i32
    %c0_i32_0 = arith.constant 0 : i32
    %c0_i32_1 = arith.constant 0 : i32
    return %c0_i32, %c0_i32_0 : i32, i32
  }
  func.func @transform_10(%arg0: i32) -> (i32, i32) {
    %c0_i32 = arith.constant 0 : i32
    %c0_i32_0 = arith.constant 0 : i32
    return %arg0, %c0_i32 : i32, i32
  }
  func.func @transform_11(%arg0: i32) -> (i32, i32) {
    %c0_i32 = arith.constant 0 : i32
    %c0_i32_0 = arith.constant 0 : i32
    %c0_i32_1 = arith.constant 0 : i32
    return %c0_i32, %c0_i32_0 : i32, i32
  }
  func.func @transform_12(%arg0: i32) -> (i32, i32) {
    %c0_i32 = arith.constant 0 : i32
    %c0_i32_0 = arith.constant 0 : i32
    %c0_i32_1 = arith.constant 0 : i32
    return %c0_i32, %c0_i32_0 : i32, i32
  }
  func.func @transform_13(%arg0: i32) -> (i32, i32) {
    %c0_i32 = arith.constant 0 : i32
    %c0_i32_0 = arith.constant 0 : i32
    %c0_i32_1 = arith.constant 0 : i32
    return %c0_i32, %c0_i32_0 : i32, i32
  }
}

</mosaic_0001>

<sc_bundles>
// kernel: kernel.5.cloned.1.call-start
scs
__scs_entry_jumppad:
0x0: {  	(pc) =	sbr.rel $0x88, $3  }
0x1: {  	(tag) =	ssettag $0x0;
	lr =	simm.s32 $0x1  }
0x2: {  	[smem:$0x3F8C] =	sst lr;
	_ =	strace $0xD0000000  }
0x3: {  	_ = 	snop  }
0x4: {  	_ = 	snop  }
0x5: {  	_ = 	snop  }
0x6: {  	_ = 	snop  }
0x7: {  	_ = 	snop  }
__scs_overlays_trampoline_lowered:
0x8: {  	[smem:$0x3F9B] =	sst s0  }
0x9: {  	[smem:$0x3F9C] =	sst s1  }
0xa: {  	[smem:$0x3F9D] =	sst s2  }
0xb: {  	[smem:$0x3F9E] =	sst s3  }
0xc: {  	[smem:$0x3F9F] =	sst s4  }
0xd: {  	[smem:$0x3FA0] =	sst s5  }
0xe: {  	[smem:$0x3FA1] =	sst s6  }
0xf: {  	[smem:$0x3FA2] =	sst s7  }
0x10: {  	[smem:$0x3FA3] =	sst s8  }
0x11: {  	[smem:$0x3FA4] =	sst s9;
	s0 =	simm.s32 @!p0 $0x0  }
0x12: {  	s1 =	sld [smem:$0x3F8A];
	s0 =	simm.s32 @p0 $0x1  }
0x13: {  	[smem:$0x3FA5] =	sst s0;
	s0 =	simm.s32 @!p1 $0x0  }
0x14: {  	s2 =	sld [smem:$0x3F89];
	s0 =	simm.s32 @p1 $0x1  }
0x15: {  	[smem:$0x3FA6] =	sst s0;
	s0 =	simm.s32 @!p2 $0x0  }
0x16: {  	s3 =	sld [smem:$0x3FDB];
	s0 =	simm.s32 @p2 $0x1  }
0x17: {  	s4 =	simm.s32 $0x1BF5;
	[smem:$0x3FA8] =	sst s0  }
0x18: {  	s0 =	sld [smem:$0x3F8B];
	_ =	swait.ge [sflag:s4], $0x0  }
0x19: {  	s7 =	sld [smem:$0x3F8C]  }
0x1a: {  	s8 =	sadd.s32 $0xFFFFE003, lr  }
0x1b: {  	s9 =	sadd.s32 $0xFFFFFEF7, lr;
	s5 =	simm.s32 $0xFFFFFFFF;
	p2 =	slt.u32 s8, $0xFFFFF086  }
0x1c: {  	p1 =	slt.u32 s9, $0xF7A;
	s5 =	simm.s32 @!p2 $0x0  }
0x1d: {  	s5 =	simm.s32 @p1 $0x1;
	p0 =	seq.s32 s7, s2  }
0x1e: {  	s7 =	smul.u32 @!p0 $0xF7A, s2;
	p2 =	seq.s32 @!p0 s5, $0x0  }
0x1f: {  	s9 =	smul.u32 $0xF7A, s1;
	s8 =	simm.s32 @!p0 $0x1BF5;
	p2 =	por !p2, p0  }
0x20: {  	[sflag:s8] =	ssyncset.s32 @!p0 $0xFFFFF086;
	s6 =	sadd.s32 @!p0 s3, s7;
	s7 =	simm.s32 @!p0 $0x108  }
0x21: {  	s3 =	sadd.s32 s3, s9;
	s6 =	sadd.s32 @!p0 $0x88, s6;
	s7 =	simm.s32 @p2 $0x1082  }
0x22: {  	[simem:s7], [sflag:s8] =	dma.local @!p0 [hbm:s6], $0xF7A  }
0x23: {  	s9 =	sor.u32 $0xD0000000, s2;
	s6 =	simm.s32 $0x108;
	_ =	swait.ge @!p0 [sflag:s8], $0x0  }
0x24: {  	s3 =	sadd.s32 $0x88, s3;
	s6 =	simm.s32 @!p1 $0x1082;
	[sflag:s4] =	ssyncset.s32 $0xFFFFF086  }
0x25: {  	[simem:s6], [sflag:s4] =	dma.local [hbm:s3], $0xF7A  }
0x26: {  	[smem:$0x3F8C] =	sst s1;
	(tag) =	ssettag s2;
	_ =	strace s9  }
0x27: {  	s1 =	sld [smem:$0x3F9C]  }
0x28: {  	s2 =	sld [smem:$0x3F9D]  }
0x29: {  	s4 =	sld [smem:$0x3F9F]  }
0x2a: {  	p0 =	seq.s32 s5, $0x0;
	s5 =	sld [smem:$0x3FA0]  }
0x2b: {  	s6 =	sld [smem:$0x3FA1]  }
0x2c: {  	s7 =	sld [smem:$0x3FA2]  }
0x2d: {  	s3 =	simm.s32 $0x108;
	s8 =	sld [smem:$0x3FA3]  }
0x2e: {  	s3 =	simm.s32 @!p0 $0x1082;
	s9 =	sld [smem:$0x3FA4]  }
0x2f: {  	lr =	sadd.s32 s0, s3;
	s0 =	sld [smem:$0x3F9B]  }
0x30: {  	s3 =	sld [smem:$0x3F9E]  }
0x31: {  	[smem:$0x3FA7] =	sst s10  }
0x32: {  	s10 =	sld [smem:$0x3FA5];
	_ =	sdelay $0x3  }
0x33: {  	p0 =	seq.s32 s10, $0x1;
	s10 =	sld [smem:$0x3FA7];
	_ =	sdelay $0x3  }
0x34: {  	[smem:$0x3FA7] =	sst s10  }
0x35: {  	s10 =	sld [smem:$0x3FA6];
	_ =	sdelay $0x3  }
0x36: {  	p1 =	seq.s32 s10, $0x1;
	s10 =	sld [smem:$0x3FA7];
	_ =	sdelay $0x3  }
0x37: {  	[smem:$0x3FA7] =	sst s10  }
0x38: {  	s10 =	sld [smem:$0x3FA8]  }
0x39: {  	_ = 	snop;
	(pc) =	sbr.ind lr, $3  }
0x3a: {  	_ = 	snop  }
0x3b: {  	_ = 	snop  }
0x3c: {  	p2 =	seq.s32 s10, $0x1;
	s10 =	sld [smem:$0x3FA7]  }
0x3d: {  	_ =	shalt  }
0x3e: {  	_ =	shalt  }
0x3f: {  	_ =	shalt  }
0x40: {  	_ =	shalt  }
0x41: {  	_ =	shalt  }
0x42: {  	_ =	shalt  }
0x43: {  	_ =	shalt  }
0x44: {  	_ =	shalt  }
0x45: {  	_ =	shalt  }
0x46: {  	_ =	shalt  }
0x47: {  	_ =	shalt  }
0x48: {  	_ =	shalt  }
0x49: {  	_ =	shalt  }
0x4a: {  	_ =	shalt  }
0x4b: {  	_ =	shalt  }
0x4c: {  	_ =	shalt  }
0x4d: {  	_ =	shalt  }
0x4e: {  	_ =	shalt  }
0x4f: {  	_ =	shalt  }
0x50: {  	_ =	shalt  }
0x51: {  	_ =	shalt  }
0x52: {  	_ =	shalt  }
0x53: {  	_ =	shalt  }
0x54: {  	_ =	shalt  }
0x55: {  	_ =	shalt  }
0x56: {  	_ =	shalt  }
0x57: {  	_ =	shalt  }
0x58: {  	_ =	shalt  }
0x59: {  	_ =	shalt  }
0x5a: {  	_ =	shalt  }
0x5b: {  	_ =	shalt  }
0x5c: {  	_ =	shalt  }
0x5d: {  	_ =	shalt  }
0x5e: {  	_ =	shalt  }
0x5f: {  	_ =	shalt  }
0x60: {  	_ =	shalt  }
0x61: {  	_ =	shalt  }
0x62: {  	_ =	shalt  }
0x63: {  	_ =	shalt  }
0x64: {  	_ =	shalt  }
0x65: {  	_ =	shalt  }
0x66: {  	_ =	shalt  }
0x67: {  	_ =	shalt  }
0x68: {  	_ =	shalt  }
0x69: {  	_ =	shalt  }
0x6a: {  	_ =	shalt  }
0x6b: {  	_ =	shalt  }
0x6c: {  	_ =	shalt  }
0x6d: {  	_ =	shalt  }
0x6e: {  	_ =	shalt  }
0x6f: {  	_ =	shalt  }
0x70: {  	_ =	shalt  }
0x71: {  	_ =	shalt  }
0x72: {  	_ =	shalt  }
0x73: {  	_ =	shalt  }
0x74: {  	_ =	shalt  }
0x75: {  	_ =	shalt  }
0x76: {  	_ =	shalt  }
0x77: {  	_ =	shalt  }
0x78: {  	_ =	shalt  }
0x79: {  	_ =	shalt  }
0x7a: {  	_ =	shalt  }
0x7b: {  	_ =	shalt  }
0x7c: {  	_ =	shalt  }
0x7d: {  	_ =	shalt  }
0x7e: {  	_ =	shalt  }
0x7f: {  	_ =	shalt  }
0x80: {  	_ =	shalt  }
0x81: {  	_ =	shalt  }
0x82: {  	_ =	shalt  }
0x83: {  	_ =	shalt  }
0x84: {  	_ =	shalt  }
0x85: {  	_ =	shalt  }
0x86: {  	_ =	shalt  }
0x87: {  	_ =	shalt  }
.Lfunc_end0:
.L_simem_size_0:
called_computation_lowered:
.L_overlay_start_0:
0x88: {  	s2 =	sld [smem:$0x3FD9]  }
0x89: {  	s3 =	sld [smem:$0x3FFE];
	_ =	sdelay $0x1  }
0x8a: {  	s1 =	srdreg.scid  }
0x8b: {  	s0 =	sand.u32 $0x1, s1  }
0x8c: {  	s14 =	sshll.u32 s0, $0xA;
	s2 =	sadd.s32 s3, s2  }
0x8d: {  	s2 =	sadd.s32 s2, s14  }
0x8e: {  	[smem:$0x3FB3] =	sst s2  }
0x8f: {  	_ = 	snop  }
0x90: {  	s2 =	sld [smem:$0x3FD0];
	_ =	sdelay $0x2  }
0x91: {  	s15 =	simm.s32 $0xA;
	s4 =	simm.s32 $0x10  }
0x92: {  	[smem:s4], [sflag:s15] =	dma.local [hbm:s2], $0x1  }
0x93: {  	_ =	swait.eq [sflag:s15], $0x1  }
0x94: {  	[sflag:s15] =	ssyncset.done $0x0  }
0x95: {  	s16 =	sld [smem:$0x10];
	[sflag:s15] =	ssyncadd.s32 $0xFFFFFFFF  }
0x96: {  	s17 =	sld [smem:$0x11];
	(tm) =	ssettm $0x1  }
0x97: {  	s18 =	sld [smem:$0x3FFB];
	_ =	sdelay $0x3  }
0x98: {  	_ =	strace s18  }
0x99: {  	s4 =	sld [smem:$0x3FFC];
	_ =	sdelay $0x3  }
0x9a: {  	_ =	strace s4  }
0x9b: {  	s4 =	sld [smem:$0x3FFD];
	_ =	sdelay $0x3  }
0x9c: {  	_ =	strace s4  }
0x9d: {  	_ =	strace $0x8FFFFFFF  }
0x9e: {  	s19 =	sld [smem:$0x3FDB];
	_ =	sdelay $0x1  }
0x9f: {  	s5 =	simm.s32 $_scs_section_size  }
0xa0: {  	s6 =	simm.s32 $_size__tile_overlayer_lowered;
	s7 =	simm.s32 $_tile_overlayer_lowered  }
0xa1: {  	s22 =	simm.s32 $0x1BFF;
	s21 =	sshll.u32 s7, $0x1;
	s4 =	sadd.s32 s5, s19  }
0xa2: {  	s8 =	simm.s32 $0x0;
	s20 =	sshll.u32 s6, $0x1;
	s6 =	sadd.s32 s21, s4  }
0xa3: {  	[timem:s8], [sflag:s22] =	dma.local [hbm:s6], s20  }
0xa4: {  	_ =	swait.ge [sflag:s22], s20  }
0xa5: {  	s5 =	ssub.s32 $0x0, s20;
	[sflag:s22] =	ssyncset.done $0x0  }
0xa6: {  	[sflag:s22] =	ssyncadd.s32 s5;
	_ =	sdelay $0x1  }
0xa7: {  	s23 =	simm.s32 $0x1B8B  }
0xa8: {  	_ =	swait.ge [sflag:s23], $0x1  }
0xa9: {  	[sflag:s23] =	ssyncset.done $0x0  }
0xaa: {  	s25 =	simm.s32 $0x1B8E;
	s24 =	sld [smem:$0x3FFE];
	[sflag:s23] =	ssyncadd.s32 $0xFFFFFFFF  }
0xab: {  	s26 =	simm.s32 $execute0_lowered;
	[smem:$0x3FD2] =	sst s25  }
0xac: {  	s6 =	sshll.u32 s26, $0x1;
	_ =	strace $0x80000046;
	[dreg:$0x1] =	wrdreg $0xFFFFFFFF  }
0xad: {  	s28 =	simm.s32 $_size_execute0_lowered;
	s4 =	sadd.s32 s4, s6;
	[dreg:$0x0] =	wrdreg $0x0  }
0xae: {  	s6 =	sshll.u32 s28, $0x1;
	[dreg:$0x2] =	wrdreg s4  }
0xaf: {  	[dreg:$0x3] =	wrdreg s6  }
0xb0: {  	[dreg:$0x4] =	wrdreg $0xC0  }
0xb1: {  	_ =	task [dreg:s8], $0x5FFFF  }
0xb2: {  	[dreg:$0x1] =	wrdreg $0xFFFFFFFF  }
0xb3: {  	[dreg:$0x0] =	wrdreg $0x60  }
0xb4: {  	[dreg:$0x2] =	wrdreg s17  }
0xb5: {  	[dreg:$0x3] =	wrdreg s24  }
0xb6: {  	[dreg:$0x4] =	wrdreg s16  }
0xb7: {  	[dreg:$0x5] =	wrdreg $0x9  }
0xb8: {  	_ =	task.clear_ibuf [dreg:s8], $0x6FFFF;
	_ =	strace $0x90000046  }
0xb9: {  	s29 =	simm.s32 $0x9;
	_ =	strace $0x80000048  }
0xba: {  	_ =	swait.ge [sflag:s29], $0x1  }
0xbb: {  	[sflag:s29] =	ssyncadd.s32 $0xFFFFFFFF  }
0xbc: {  	_ =	strace $0x90000048  }
0xbd: {  	_ =	sfence  }
0xbe: {  	s30 =	sld [smem:$0x0];
	_ =	sdelay $0x2  }
0xbf: {  	s31 =	sshll.u32 s1, $0xD;
	s1 =	sshrl.u32 s1, $0x2  }
0xc0: {  	s3 =	sand.u32 $0x4000, s31;
	s1 =	sadd.s32 s1, s30  }
0xc1: {  	s0 =	sor.u32 s3, s0;
	s1 =	sshll.u32 s1, $0x11  }
0xc2: {  	s0 =	sor.u32 s1, s0  }
0xc3: {  	s0 =	sadd.s32 $0x8F2B, s0  }
0xc4: {  	[sflag:s0] =	ssyncadd.remote.s32 $0x1  }
0xc5: {  	_ =	sfence.sel $0xFFFF  }
0xc6: {  	[dreg:$0x0] =	wrdreg $0xFFFFFFFF;
	(pc) =	sbr.abs _section_cstart, $3  }
0xc7: {  	[dreg:$0x1] =	wrdreg $0xFFFFFFFF  }
0xc8: {  	_ =	task.clear_ibuf [dreg:s8], $0x2FFFF;
	_ =	strace $0x9FFFFFFF  }
0xc9: {  	(tm) =	ssettm $0x7FFFFFFF  }
tec
execute0_lowered:
.L_overlay_start_1:
0x0: {  	(tag) =	ssettag $0x1  }
0x1: {  	s4 =	rddreg [dreg:$0x0]  }
0x2: {  	s5 =	rddreg [dreg:$0x1]  }
0x3: {  	s2 =	rddreg [dreg:$0x2]  }
0x4: {  	s0 =	rddreg [dreg:$0x3];
	s3 =	simm.s32 $0x0;
	s6 =	srdreg.scid  }
0x5: {  	s1 =	stileid.u32;
	s12 =	simm.s32 $0x4200;
	s13 =	simm.s32 $0x100  }
0x6: {  	s14 =	simm.s32 $0x8200;
	s15 =	simm.s32 $0x180;
	s16 =	simm.s32 $0xC200  }
0x7: {  	s17 =	simm.s32 $0x1;
	s18 =	simm.s32 $0x0;
	s7 =	smul.u32 $0x1400, s1  }
0x8: {  	[smem:$0x7FF] =	sst s3;
	s6 =	sand.u32 $0x1, s6;
	s10 =	smul.u32 $0x14000, s1  }
0x9: {  	s9 =	sadd.s32 $0x2600, s5;
	s8 =	smul.u32 $0xA00, s6;
	s24 =	ssub.s32 $0x2, s6  }
0xa: {  	_ =	strace $0x80000047;
	s6 =	smul.u32 $0xA000, s6;
	s11 =	sshrl.u32 s24, $0x1  }
0xb: {  	s25 =	sadd.s32 s10, s4;
	s7 =	sadd.s32 s8, s7;
	s5 =	ssub.s32 s24, s11  }
0xc: {  	s11 =	simm.s32 $0x80;
	s26 =	sor.u32 $0x180, s7;
	s4 =	smax.u32 s5, $0x1  }
0xd: {  	s5 =	sadd.s32 s6, s25;
	s29 =	sor.u32 $0x100, s7;
	s30 =	sor.u32 $0x80, s7  }
0xe: {  	s31 =	sshrl.u32 s7, $0x3;
	s28 =	sshrl.u32 s26, $0x3;
	s8 =	sshrl.u32 s29, $0x3  }
0xf: {  	s10 =	sshrl.u32 s30, $0x3;
	s6 =	sadd.s32 s28, s9;
	s7 =	sadd.s32 s8, s9  }
0x10: {  	s8 =	sadd.s32 s10, s9;
	s9 =	sadd.s32 s31, s9;
	s10 =	simm.s32 $0x200  }
.LBB2_1:
0x11: {  	[tilespmem:s3], [sflag:$0x1] =	stream.linear.gather [hbm4b:s9+s3], $0x80, $0x38;
	[tilespmem:$0x10200] =	vst v63  }
0x12: {  	s19 =	sadd.s32 $0x0, s5  }
0x13: {  	[tilespmem:s10], [sflag:$0x1] =	stream.linear.gather [hbm4b:s19+s3], $0x4000, $0x38;
	[tilespmem:$0x10200] =	vst v63  }
0x14: {  	_ = 	snop  }
0x15: {  	[tilespmem:s11], [sflag:$0x1] =	stream.linear.gather [hbm4b:s8+s3], $0x80, $0x38;
	[tilespmem:$0x10200] =	vst v63  }
0x16: {  	s20 =	sadd.s32 $0x800, s19  }
0x17: {  	[tilespmem:s12], [sflag:$0x1] =	stream.linear.gather [hbm4b:s20+s3], $0x4000, $0x38;
	[tilespmem:$0x10200] =	vst v63  }
0x18: {  	_ = 	snop  }
0x19: {  	[tilespmem:s13], [sflag:$0x1] =	stream.linear.gather [hbm4b:s7+s3], $0x80, $0x38;
	[tilespmem:$0x10200] =	vst v63  }
0x1a: {  	s31 =	sadd.s32 $0x1000, s19  }
0x1b: {  	[tilespmem:s14], [sflag:$0x1] =	stream.linear.gather [hbm4b:s31+s3], $0x4000, $0x38;
	[tilespmem:$0x10200] =	vst v63  }
0x1c: {  	_ = 	snop  }
0x1d: {  	[tilespmem:s15], [sflag:$0x1] =	stream.linear.gather [hbm4b:s6+s3], $0x80, $0x38;
	[tilespmem:$0x10200] =	vst v63  }
0x1e: {  	s19 =	sadd.s32 $0x1800, s19  }
0x1f: {  	[tilespmem:s16], [sflag:$0x1] =	stream.linear.gather [hbm4b:s19+s3], $0x4000, $0x38;
	[tilespmem:$0x10200] =	vst v63  }
0x20: {  	_ =	swait.ge [sflag:s17], $0x80  }
0x21: {  	[sflag:s17] =	ssyncset.done $0x0  }
0x22: {  	[sflag:s17] =	ssyncadd.s32 $0xFFFFFF80  }
0x23: {  	_ =	swait.ge [sflag:s17], $0x4000  }
0x24: {  	[sflag:s17] =	ssyncset.done $0x0  }
0x25: {  	[sflag:s17] =	ssyncadd.s32 $0xFFFFC000  }
0x26: {  	_ =	swait.ge [sflag:s17], $0x80  }
0x27: {  	[sflag:s17] =	ssyncset.done $0x0  }
0x28: {  	[sflag:s17] =	ssyncadd.s32 $0xFFFFFF80  }
0x29: {  	_ =	swait.ge [sflag:s17], $0x4000  }
0x2a: {  	[sflag:s17] =	ssyncset.done $0x0  }
0x2b: {  	[sflag:s17] =	ssyncadd.s32 $0xFFFFC000  }
0x2c: {  	_ =	swait.ge [sflag:s17], $0x80  }
0x2d: {  	[sflag:s17] =	ssyncset.done $0x0  }
0x2e: {  	[sflag:s17] =	ssyncadd.s32 $0xFFFFFF80  }
0x2f: {  	_ =	swait.ge [sflag:s17], $0x4000  }
0x30: {  	[sflag:s17] =	ssyncset.done $0x0  }
0x31: {  	[sflag:s17] =	ssyncadd.s32 $0xFFFFC000  }
0x32: {  	_ =	swait.ge [sflag:s17], $0x80  }
0x33: {  	[sflag:s17] =	ssyncset.done $0x0  }
0x34: {  	[sflag:s17] =	ssyncadd.s32 $0xFFFFFF80  }
0x35: {  	_ =	swait.ge [sflag:s17], $0x4000  }
0x36: {  	[sflag:s17] =	ssyncset.done $0x0  }
0x37: {  	[sflag:s17] =	ssyncadd.s32 $0xFFFFC000  }
0x38: {  	[hbm4b:s2+s11] =	stream.indirect.scatter [tilespmem:s10], [sflag:$0x1], $0x80, s3, s11, $0xb8;
	[tilespmem:$0x10200] =	vst v63  }
0x39: {  	_ = 	snop  }
0x3a: {  	[hbm4b:s2+s11] =	stream.indirect.scatter [tilespmem:s12], [sflag:$0x1], $0x80, s11, s11, $0xb8;
	[tilespmem:$0x10200] =	vst v63  }
0x3b: {  	_ = 	snop  }
0x3c: {  	[hbm4b:s2+s11] =	stream.indirect.scatter [tilespmem:s14], [sflag:$0x1], $0x80, s13, s11, $0xb8;
	[tilespmem:$0x10200] =	vst v63  }
0x3d: {  	_ = 	snop  }
0x3e: {  	[hbm4b:s2+s11] =	stream.indirect.scatter [tilespmem:s16], [sflag:$0x1], $0x80, s15, s11, $0xb8;
	[tilespmem:$0x10200] =	vst v63  }
0x3f: {  	_ =	swait.ge [sflag:s17], $0x4000  }
0x40: {  	[sflag:s17] =	ssyncset.done $0x0  }
0x41: {  	[sflag:s17] =	ssyncadd.s32 $0xFFFFC000  }
0x42: {  	_ =	swait.ge [sflag:s17], $0x4000  }
0x43: {  	[sflag:s17] =	ssyncset.done $0x0  }
0x44: {  	[sflag:s17] =	ssyncadd.s32 $0xFFFFC000  }
0x45: {  	_ =	swait.ge [sflag:s17], $0x4000  }
0x46: {  	[sflag:s17] =	ssyncset.done $0x0  }
0x47: {  	s21 =	sadd.s32 $0x40, s9;
	[sflag:s17] =	ssyncadd.s32 $0xFFFFC000  }
0x48: {  	s22 =	smov.u32 s6;
	s23 =	smov.u32 s7;
	_ =	swait.ge [sflag:s17], $0x4000  }
0x49: {  	s20 =	sadd.s32 $0x40, s8;
	s19 =	simm.s32 $0x2000;
	[sflag:s17] =	ssyncset.done $0x0  }
.LBB2_2:
0x4a: {  	[sflag:s17] =	ssyncadd.s32 $0xFFFFC000;
	s22 =	sadd.s32 $0x40, s22;
	s23 =	sadd.s32 $0x40, s23  }
0x4b: {  	[tilespmem:s3], [sflag:$0x1] =	stream.linear.gather [hbm4b:s21+s3], $0x80, $0x38;
	[tilespmem:$0x10200] =	vst v63  }
0x4c: {  	s24 =	sadd.s32 s19, s5;
	p0 =	sne.s32 s19, $0x8000;
	s19 =	sadd.s32 $0x2000, s19  }
0x4d: {  	[tilespmem:s10], [sflag:$0x1] =	stream.linear.gather [hbm4b:s24+s3], $0x4000, $0x38;
	[tilespmem:$0x10200] =	vst v63  }
0x4e: {  	_ = 	snop  }
0x4f: {  	[tilespmem:s11], [sflag:$0x1] =	stream.linear.gather [hbm4b:s20+s3], $0x80, $0x38;
	[tilespmem:$0x10200] =	vst v63  }
0x50: {  	s25 =	sadd.s32 $0x800, s24  }
0x51: {  	[tilespmem:s12], [sflag:$0x1] =	stream.linear.gather [hbm4b:s25+s3], $0x4000, $0x38;
	[tilespmem:$0x10200] =	vst v63  }
0x52: {  	_ = 	snop  }
0x53: {  	[tilespmem:s13], [sflag:$0x1] =	stream.linear.gather [hbm4b:s23+s3], $0x80, $0x38;
	[tilespmem:$0x10200] =	vst v63  }
0x54: {  	s25 =	sadd.s32 $0x1000, s24  }
0x55: {  	[tilespmem:s14], [sflag:$0x1] =	stream.linear.gather [hbm4b:s25+s3], $0x4000, $0x38;
	[tilespmem:$0x10200] =	vst v63  }
0x56: {  	_ = 	snop  }
0x57: {  	[tilespmem:s15], [sflag:$0x1] =	stream.linear.gather [hbm4b:s22+s3], $0x80, $0x38;
	[tilespmem:$0x10200] =	vst v63  }
0x58: {  	s24 =	sadd.s32 $0x1800, s24  }
0x59: {  	[tilespmem:s16], [sflag:$0x1] =	stream.linear.gather [hbm4b:s24+s3], $0x4000, $0x38;
	[tilespmem:$0x10200] =	vst v63  }
0x5a: {  	_ =	swait.ge [sflag:s17], $0x80  }
0x5b: {  	[sflag:s17] =	ssyncset.done $0x0  }
0x5c: {  	[sflag:s17] =	ssyncadd.s32 $0xFFFFFF80  }
0x5d: {  	_ =	swait.ge [sflag:s17], $0x4000  }
0x5e: {  	[sflag:s17] =	ssyncset.done $0x0  }
0x5f: {  	[sflag:s17] =	ssyncadd.s32 $0xFFFFC000  }
0x60: {  	_ =	swait.ge [sflag:s17], $0x80  }
0x61: {  	[sflag:s17] =	ssyncset.done $0x0  }
0x62: {  	[sflag:s17] =	ssyncadd.s32 $0xFFFFFF80  }
0x63: {  	_ =	swait.ge [sflag:s17], $0x4000  }
0x64: {  	[sflag:s17] =	ssyncset.done $0x0  }
0x65: {  	[sflag:s17] =	ssyncadd.s32 $0xFFFFC000  }
0x66: {  	_ =	swait.ge [sflag:s17], $0x80  }
0x67: {  	[sflag:s17] =	ssyncset.done $0x0  }
0x68: {  	[sflag:s17] =	ssyncadd.s32 $0xFFFFFF80  }
0x69: {  	_ =	swait.ge [sflag:s17], $0x4000  }
0x6a: {  	[sflag:s17] =	ssyncset.done $0x0  }
0x6b: {  	[sflag:s17] =	ssyncadd.s32 $0xFFFFC000  }
0x6c: {  	_ =	swait.ge [sflag:s17], $0x80  }
0x6d: {  	[sflag:s17] =	ssyncset.done $0x0  }
0x6e: {  	[sflag:s17] =	ssyncadd.s32 $0xFFFFFF80  }
0x6f: {  	_ =	swait.ge [sflag:s17], $0x4000  }
0x70: {  	[sflag:s17] =	ssyncset.done $0x0  }
0x71: {  	[sflag:s17] =	ssyncadd.s32 $0xFFFFC000  }
0x72: {  	[hbm4b:s2+s11] =	stream.indirect.scatter [tilespmem:s10], [sflag:$0x1], $0x80, s3, s11, $0xb8;
	[tilespmem:$0x10200] =	vst v63  }
0x73: {  	_ = 	snop  }
0x74: {  	[hbm4b:s2+s11] =	stream.indirect.scatter [tilespmem:s12], [sflag:$0x1], $0x80, s11, s11, $0xb8;
	[tilespmem:$0x10200] =	vst v63  }
0x75: {  	_ = 	snop  }
0x76: {  	[hbm4b:s2+s11] =	stream.indirect.scatter [tilespmem:s14], [sflag:$0x1], $0x80, s13, s11, $0xb8;
	[tilespmem:$0x10200] =	vst v63  }
0x77: {  	_ = 	snop  }
0x78: {  	[hbm4b:s2+s11] =	stream.indirect.scatter [tilespmem:s16], [sflag:$0x1], $0x80, s15, s11, $0xb8;
	[tilespmem:$0x10200] =	vst v63  }
0x79: {  	_ =	swait.ge [sflag:s17], $0x4000  }
0x7a: {  	[sflag:s17] =	ssyncset.done $0x0  }
0x7b: {  	[sflag:s17] =	ssyncadd.s32 $0xFFFFC000  }
0x7c: {  	_ =	swait.ge [sflag:s17], $0x4000  }
0x7d: {  	[sflag:s17] =	ssyncset.done $0x0  }
0x7e: {  	[sflag:s17] =	ssyncadd.s32 $0xFFFFC000  }
.Ltmp0:
0x7f: {  	_ =	swait.ge [sflag:s17], $0x4000;
	(pc) =	sbr.rel @p0 .LBB2_2-.Ltmp0, $4  }
0x80: {  	[sflag:s17] =	ssyncset.done $0x0  }
0x81: {  	[sflag:s17] =	ssyncadd.s32 $0xFFFFC000  }
0x82: {  	_ =	swait.ge [sflag:s17], $0x4000  }
0x83: {  	s21 =	sadd.s32 $0x40, s21;
	s20 =	sadd.s32 $0x40, s20;
	[sflag:s17] =	ssyncset.done $0x0  }
0x84: {  	s18 =	sadd.s32 $0x1, s18  }
0x85: {  	p0 =	sne.s32 s18, s4  }
.Ltmp1:
0x86: {  	_ = 	snop;
	(pc) =	sbr.rel @p0 .LBB2_1-.Ltmp1, $2  }
0x87: {  	_ =	sdelay $0x2  }
0x88: {  	[sflag:s17] =	ssyncadd.s32 $0xFFFFC000  }
0x89: {  	_ =	sfence.sel $0x180000  }
0x8a: {  	[bflag:$0x0] =	sbarrier.arrive $0xFFFF  }
0x8b: {  	p0 =	sne.s32 s1, $0x0;
	_ =	strace $0x90000047  }
0x8c: {  	s0 =	sadd.s32 @!p0 $0x100000, s0;
	[bflag:$0x2] =	sbarrier.arrive $0xFFFF  }
0x8d: {  	[sflag:s0] =	ssyncadd.tile.s32 @!p0 $0x1;
	_ =	shalt  }
.Lfunc_end2:
_tile_overlayer_lowered:
.L_overlay_start_2:
0x8e: {  	(tag) =	ssettag $0x2  }
0x8f: {  	s0 =	rddreg [dreg:$0x0];
	s2 =	stileid.u32  }
0x90: {  	s1 =	rddreg [dreg:$0x1];
	p0 =	sne.s32 s2, $0x0  }
0x91: {  	s3 =	rddreg [dreg:$0x2];
	[bflag:$0x3] =	sbarrier.arrive $0xFFFF;
	s2 =	simm.s32 @!p0 $0x1C02  }
0x92: {  	[timem:s3], [sflag:s2] =	dma.local @!p0 [hbm:s0], s1  }
0x93: {  	s0 =	simm.s32 @!p0 $0x2  }
0x94: {  	_ =	swait.ge @!p0 [sflag:s0], s1  }
0x95: {  	s1 =	ssub.s32 @!p0 $0x0, s1;
	[sflag:s0] =	ssyncset.done @!p0 $0x0  }
0x96: {  	[sflag:s0] =	ssyncadd.s32 @!p0 s1  }
0x97: {  	[bflag:$0x3] =	sbarrier.arrive $0xFFFF  }
0x98: {  	_ =	shalt  }

</sc_bundles>
